<compile_context>
chip_gen: v7x
topology: tpu7x:2x2x1
jax: 0.10.2.dev20260603
libtpu: 0.0.44.dev20260713+nightly
codegen_flags: <defaults>
</compile_context>

<pallas_src>
import jax
import jax.numpy as jnp
from jax import lax
from jax.experimental import pallas as pl
from jax.experimental.pallas import tpu as pltpu
from jax.experimental.pallas import tpu_sc as plsc

_N = 100000
_KNN = 16
_D0, _D1 = 128, 256
_H0, _H1 = 32, 16
_NCAT = 10
_ZW = 16

_NC, _NS = 2, 16
_NW = _NC * _NS
_NPC = 48
_G = _NPC * _KNN
_R = ((_N + _NW * 2 * _NPC - 1) // (_NW * 2 * _NPC)) * (2 * _NPC)
_NCH = _R // _NPC


def _encode_body(f0, f1, w0, b0, w1, b1, wg0, wg1, bg, out):
    a0 = jnp.maximum(
        jnp.dot(f0[...], w0[...], preferred_element_type=jnp.float32) + b0[...], 0.0)
    a1 = jnp.maximum(
        jnp.dot(f1[...], w1[...], preferred_element_type=jnp.float32) + b1[...], 0.0)
    z = jnp.dot(a0, wg0[...], preferred_element_type=jnp.float32)
    z = z + jnp.dot(a1, wg1[...], preferred_element_type=jnp.float32)
    out[...] = z + bg[...]


def _encode(fts0, fts1, W0, b0, W1, b1, Wg0, Wg1, bg):
    bn = 2000
    grid = (_N // bn,)
    full = lambda r, c: pl.BlockSpec((r, c), lambda i: (0, 0))
    return pl.pallas_call(
        _encode_body,
        grid=grid,
        in_specs=[
            pl.BlockSpec((bn, _D0), lambda i: (i, 0)),
            pl.BlockSpec((bn, _D1), lambda i: (i, 0)),
            full(_D0, _H0), full(1, _H0),
            full(_D1, _H1), full(1, _H1),
            full(_H0, _ZW), full(_H1, _ZW), full(1, _ZW),
        ],
        out_specs=pl.BlockSpec((bn, _ZW), lambda i: (i, 0)),
        out_shape=jax.ShapeDtypeStruct((_N, _ZW), jnp.float32),
    )(fts0, fts1, W0, b0, W1, b1, Wg0, Wg1, bg)


def _gather_sum_body(z_hbm, edge_hbm, out_hbm, idx_flat, buf_v, sem0, sem1):
    wid = lax.axis_index("s") * _NC + lax.axis_index("c")
    base = jnp.minimum(wid * _R, _N - _R)
    sems = (sem0, sem1)

    def stage(idx_raw):
        pltpu.sync_copy(edge_hbm.at[pl.ds(base, _R)], idx_raw)

        def repack(c, carry):
            for n in range(8):
                idx_flat[pl.ds((c * 8 + n) * _KNN, _KNN)] = idx_raw[c * 8 + n, :]
            return carry
        lax.fori_loop(0, _R // 8, repack, 0)

    pl.run_scoped(stage, pltpu.VMEM((_R, _KNN), jnp.int32))

    pltpu.async_copy(z_hbm.at[idx_flat.at[pl.ds(0, _G)]], buf_v.at[0], sem0)
    pltpu.async_copy(z_hbm.at[idx_flat.at[pl.ds(_G, _G)]], buf_v.at[1], sem1)

    def main(acc_v):
        def accumulate(p, c):
            def node(n, carry):
                vals = [buf_v[p, n * _KNN + k, :] for k in range(_KNN)]
                while len(vals) > 1:
                    nxt = [vals[i] + vals[i + 1] for i in range(0, len(vals) - 1, 2)]
                    if len(vals) % 2:
                        nxt.append(vals[-1])
                    vals = nxt
                acc_v[c * _NPC + n, :] = vals[0]
                return carry
            lax.fori_loop(0, _NPC, node, 0)

        def chunk_pair(j, carry):
            for p in range(2):
                c = 2 * j + p
                pltpu.make_async_copy(
                    z_hbm.at[pl.ds(0, _G)], buf_v.at[p], sems[p]).wait()
                accumulate(p, c)

                @pl.when(c + 2 < _NCH)
                def _start_next():
                    pltpu.async_copy(
                        z_hbm.at[idx_flat.at[pl.ds((c + 2) * _G, _G)]],
                        buf_v.at[p], sems[p])
            return carry

        lax.fori_loop(0, _NCH // 2, chunk_pair, 0)
        pltpu.sync_copy(acc_v, out_hbm.at[pl.ds(base, _R)])

    pl.run_scoped(main, pltpu.VMEM((_R, _ZW), jnp.float32))


def _gather_sum(z, edge):
    mesh = plsc.VectorSubcoreMesh(core_axis_name="c", subcore_axis_name="s")
    return pl.kernel(
        _gather_sum_body,
        out_type=jax.ShapeDtypeStruct((_N, _ZW), jnp.float32),
        mesh=mesh,
        compiler_params=pltpu.CompilerParams(use_tc_tiling_on_sc=False),
        scratch_types=[
            pltpu.VMEM((_R * _KNN,), jnp.int32),
            pltpu.VMEM((2, _G, _ZW), jnp.float32),
            pltpu.SemaphoreType.DMA,
            pltpu.SemaphoreType.DMA,
        ],
    )(z, edge)


def _log_softmax_body(s_ref, o_ref):
    s = s_ref[...]
    col = lax.broadcasted_iota(jnp.int32, s.shape, 1)
    mask = col < _NCAT
    m = jnp.max(jnp.where(mask, s, -jnp.inf), axis=1, keepdims=True)
    e = jnp.where(mask, jnp.exp(s - m), 0.0)
    lse = jnp.log(jnp.sum(e, axis=1, keepdims=True))
    o_ref[...] = (s - m - lse)[:, :_NCAT]


def _log_softmax(sums):
    bc = 2000
    grid = (_N // bc,)
    return pl.pallas_call(
        _log_softmax_body,
        grid=grid,
        in_specs=[pl.BlockSpec((bc, _ZW), lambda i: (i, 0))],
        out_specs=pl.BlockSpec((bc, _NCAT), lambda i: (i, 0)),
        out_shape=jax.ShapeDtypeStruct((_N, _NCAT), jnp.float32),
    )(sums)


def kernel(fts0, fts1, edge_dict, W0, b0, W1, b1, Wg, bg):
    scale = jnp.float32(1.0 / _KNN)
    wg_pad = jnp.pad(Wg * scale, ((0, 0), (0, _ZW - _NCAT)))
    bg_pad = jnp.pad(bg * scale, (0, _ZW - _NCAT)).reshape(1, _ZW)
    z = _encode(fts0, fts1, W0, b0.reshape(1, _H0), W1, b1.reshape(1, _H1),
                wg_pad[:_H0], wg_pad[_H0:], bg_pad)
    sums = _gather_sum(z, edge_dict)
    return _log_softmax(sums)

# --- scband reference (transcript-rebuilt; emitter-appended) ---
"""Pipeline reference for scband-multi-input-gcn-70403103916552 (READ-ONLY COPY).

The authoritative reference and input builder live on the scoring server;
editing this copy changes nothing except your own understanding.
"""

import jax, jax.numpy as jnp
import numpy as np

N = 100000
KNN = 16
D0, D1 = 128, 256
H0, H1 = 32, 16
NCAT = 10


def setup_inputs(seed: int = 0) -> dict:
    key = jax.random.key(seed)
    ks = jax.random.split(key, 8)
    fts0 = jax.random.normal(ks[0], (N, D0), dtype=jnp.float32)
    fts1 = jax.random.normal(ks[1], (N, D1), dtype=jnp.float32)
    edge_dict = jax.random.randint(ks[2], (N, KNN), 0, N, dtype=jnp.int32)
    W0 = jax.random.normal(ks[3], (D0, H0), dtype=jnp.float32) * 0.05
    b0 = jnp.zeros((H0,), dtype=jnp.float32)
    W1 = jax.random.normal(ks[4], (D1, H1), dtype=jnp.float32) * 0.05
    b1 = jnp.zeros((H1,), dtype=jnp.float32)
    Wg = jax.random.normal(ks[5], (H0 + H1, NCAT), dtype=jnp.float32) * 0.05
    bg = jnp.zeros((NCAT,), dtype=jnp.float32)
    return {"fts0": fts0, "fts1": fts1, "edge_dict": edge_dict,
            "W0": W0, "b0": b0, "W1": W1, "b1": b1, "Wg": Wg, "bg": bg}


def reference(fts0, fts1, edge_dict, W0, b0, W1, b1, Wg, bg):
    # per-input MLP branches (dropout is identity in eval mode)
    t0 = jax.nn.relu(fts0 @ W0 + b0)
    t1 = jax.nn.relu(fts1 @ W1 + b1)
    tmp = jnp.concatenate([t0, t1], axis=1)  # [N, H0+H1]
    # TransGraphConvolution (knn hypergraph, unsampled): gather knn neighbors
    # per node and mean-aggregate, then linear + log_softmax activation.
    nb = jnp.take(tmp, edge_dict, axis=0)  # [N, KNN, H0+H1] gather
    agg = jnp.mean(nb, axis=1)             # [N, H0+H1]
    logits = agg @ Wg + bg                 # [N, NCAT]
    return jax.nn.log_softmax(logits, axis=-1)

if __name__ == "__main__":
    import jax
    _d = setup_inputs()
    print(jax.jit(kernel)(*tuple(_d.values())))

</pallas_src>

<mosaic_0001>
#map = affine_map<(d0, d1) -> (0, 0)>
module attributes {stable_mosaic.version = 14 : i64} {
  func.func @_gather_sum_body(%arg0: i32, %arg1: i32, %arg2: memref<100000x16xf32, #tpu.memory_space<hbm>>, %arg3: memref<100000x16xi32, #tpu.memory_space<hbm>>, %arg4: memref<100000x16xf32, #tpu.memory_space<hbm>>, %arg5: memref<50688xi32, #tpu.memory_space<vmem>>, %arg6: memref<2x768x16xf32, #tpu.memory_space<vmem>>, %arg7: memref<!tpu.dma_semaphore, #tpu.memory_space<semaphore_mem>>, %arg8: memref<!tpu.dma_semaphore, #tpu.memory_space<semaphore_mem>>) attributes {dimension_semantics = [#tpu.dimension_semantics<core_parallel>, #tpu.dimension_semantics<subcore_parallel>], iteration_bounds = array<i64: 2, 16>, scalar_prefetch = 0 : i64, scratch_operands = 4 : i64, tpu.core_type = #tpu.core_type<sc_vector_subcore>, window_params = [{transform_indices = #map}, {transform_indices = #map}, {transform_indices = #map}]} {
    %mul3A = arith.constant 2 : i32
    %mul3A_0 = arith.muli %arg1, %mul3A : i32
    %add3A = arith.addi %mul3A_0, %arg0 : i32
    %mul3A_1 = arith.constant 3168 : i32
    %mul3A_2 = arith.muli %add3A, %mul3A_1 : i32
    %min3A = arith.constant 96832 : i32
    %min3A_3 = arith.minsi %mul3A_2, %min3A : i32
    "tpu.region"() ({
      %run_scoped3A = memref.alloca() : memref<3168x16xi32, #tpu.memory_space<vmem>>
      "tpu.region"() ({
        %run_scoped3A_28 = tpu.sem_alloc : memref<!tpu.dma_semaphore, #tpu.memory_space<semaphore_mem>>
        %dma_start3A_29 = arith.constant 0 : i32
        %dma_start3A_30 = tpu.memref_slice %arg3[%min3A_3, %dma_start3A_29] : memref<100000x16xi32, #tpu.memory_space<hbm>> -> memref<3168x16xi32, #tpu.memory_space<hbm>>
        %dma_start3A_31 = arith.constant 0 : i32
        %dma_start3A_32 = tpu.memref_slice %arg3[%min3A_3, %dma_start3A_31] : memref<100000x16xi32, #tpu.memory_space<hbm>> -> memref<3168x16xi32, #tpu.memory_space<hbm>>
        tpu.enqueue_dma source(%dma_start3A_32 : memref<3168x16xi32, #tpu.memory_space<hbm>>) target(%run_scoped3A : memref<3168x16xi32, #tpu.memory_space<vmem>>) target_semaphore(%run_scoped3A_28 : memref<!tpu.dma_semaphore, #tpu.memory_space<semaphore_mem>>)
        %dma_wait3A = arith.constant 0 : i32
        %dma_wait3A_33 = tpu.memref_slice %arg3[%min3A_3, %dma_wait3A] : memref<100000x16xi32, #tpu.memory_space<hbm>> -> memref<3168x16xi32, #tpu.memory_space<hbm>>
        %dma_wait3A_34 = arith.constant 0 : i32
        %dma_wait3A_35 = tpu.memref_slice %arg3[%min3A_3, %dma_wait3A_34] : memref<100000x16xi32, #tpu.memory_space<hbm>> -> memref<3168x16xi32, #tpu.memory_space<hbm>>
        tpu.wait_dma2 semaphore(%run_scoped3A_28 : memref<!tpu.dma_semaphore, #tpu.memory_space<semaphore_mem>>) src(%dma_wait3A_35 : memref<3168x16xi32, #tpu.memory_space<hbm>>) dst(%run_scoped3A : memref<3168x16xi32, #tpu.memory_space<vmem>>)
        tpu.yield
      }) : () -> ()
      %scan3A = arith.constant 0 : i32
      %scan3A_23 = arith.constant 0 : i32
      %scan3A_24 = arith.constant 396 : i32
      %scan3A_25 = arith.addi %scan3A_23, %scan3A_24 : i32
      %scan3A_26 = arith.constant 1 : i32
      scf.for %scan3A_28 = %scan3A_23 to %scan3A_25 step %scan3A_26  : i32 {
        %mul3A_29 = arith.constant 8 : i32
        %mul3A_30 = arith.muli %scan3A_28, %mul3A_29 : i32
        %add3A_31 = arith.constant 0 : i32
        %add3A_32 = arith.addi %mul3A_30, %add3A_31 : i32
        %get3A = arith.index_cast %add3A_32 : i32 to index
        %get3A_33 = arith.constant 0 : index
        %get3A_34 = tpu.vector_load %run_scoped3A[%get3A, %get3A_33] {strides = array<i32>} : memref<3168x16xi32, #tpu.memory_space<vmem>>, vector<1x16xi32>,
        %get3A_35 = vector.shape_cast %get3A_34 : vector<1x16xi32> to vector<16xi32>
        %mul3A_36 = arith.constant 8 : i32
        %mul3A_37 = arith.muli %scan3A_28, %mul3A_36 : i32
        %add3A_38 = arith.constant 0 : i32
        %add3A_39 = arith.addi %mul3A_37, %add3A_38 : i32
        %mul3A_40 = arith.constant 16 : i32
        %mul3A_41 = arith.muli %add3A_39, %mul3A_40 : i32
        %swap3A = arith.index_cast %mul3A_41 : i32 to index
        %swap3A_42 = tpu.vector_load %arg5[%swap3A] {strides = array<i32>} : memref<50688xi32, #tpu.memory_space<vmem>>, vector<16xi32>,
        %swap3A_43 = vector.shape_cast %swap3A_42 : vector<16xi32> to vector<16xi32>
        %swap3A_44 = vector.shape_cast %get3A_35 : vector<16xi32> to vector<16xi32>
        tpu.vector_store %arg5[%swap3A], %swap3A_44 {strides = array<i32>} : memref<50688xi32, #tpu.memory_space<vmem>>, vector<16xi32>,
        %mul3A_45 = arith.constant 8 : i32
        %mul3A_46 = arith.muli %scan3A_28, %mul3A_45 : i32
        %add3A_47 = arith.constant 1 : i32
        %add3A_48 = arith.addi %mul3A_46, %add3A_47 : i32
        %get3A_49 = arith.index_cast %add3A_48 : i32 to index
        %get3A_50 = arith.constant 0 : index
        %get3A_51 = tpu.vector_load %run_scoped3A[%get3A_49, %get3A_50] {strides = array<i32>} : memref<3168x16xi32, #tpu.memory_space<vmem>>, vector<1x16xi32>,
        %get3A_52 = vector.shape_cast %get3A_51 : vector<1x16xi32> to vector<16xi32>
        %mul3A_53 = arith.constant 8 : i32
        %mul3A_54 = arith.muli %scan3A_28, %mul3A_53 : i32
        %add3A_55 = arith.constant 1 : i32
        %add3A_56 = arith.addi %mul3A_54, %add3A_55 : i32
        %mul3A_57 = arith.constant 16 : i32
        %mul3A_58 = arith.muli %add3A_56, %mul3A_57 : i32
        %swap3A_59 = arith.index_cast %mul3A_58 : i32 to index
        %swap3A_60 = tpu.vector_load %arg5[%swap3A_59] {strides = array<i32>} : memref<50688xi32, #tpu.memory_space<vmem>>, vector<16xi32>,
        %swap3A_61 = vector.shape_cast %swap3A_60 : vector<16xi32> to vector<16xi32>
        %swap3A_62 = vector.shape_cast %get3A_52 : vector<16xi32> to vector<16xi32>
        tpu.vector_store %arg5[%swap3A_59], %swap3A_62 {strides = array<i32>} : memref<50688xi32, #tpu.memory_space<vmem>>, vector<16xi32>,
        %mul3A_63 = arith.constant 8 : i32
        %mul3A_64 = arith.muli %scan3A_28, %mul3A_63 : i32
        %add3A_65 = arith.constant 2 : i32
        %add3A_66 = arith.addi %mul3A_64, %add3A_65 : i32
        %get3A_67 = arith.index_cast %add3A_66 : i32 to index
        %get3A_68 = arith.constant 0 : index
        %get3A_69 = tpu.vector_load %run_scoped3A[%get3A_67, %get3A_68] {strides = array<i32>} : memref<3168x16xi32, #tpu.memory_space<vmem>>, vector<1x16xi32>,
        %get3A_70 = vector.shape_cast %get3A_69 : vector<1x16xi32> to vector<16xi32>
        %mul3A_71 = arith.constant 8 : i32
        %mul3A_72 = arith.muli %scan3A_28, %mul3A_71 : i32
        %add3A_73 = arith.constant 2 : i32
        %add3A_74 = arith.addi %mul3A_72, %add3A_73 : i32
        %mul3A_75 = arith.constant 16 : i32
        %mul3A_76 = arith.muli %add3A_74, %mul3A_75 : i32
        %swap3A_77 = arith.index_cast %mul3A_76 : i32 to index
        %swap3A_78 = tpu.vector_load %arg5[%swap3A_77] {strides = array<i32>} : memref<50688xi32, #tpu.memory_space<vmem>>, vector<16xi32>,
        %swap3A_79 = vector.shape_cast %swap3A_78 : vector<16xi32> to vector<16xi32>
        %swap3A_80 = vector.shape_cast %get3A_70 : vector<16xi32> to vector<16xi32>
        tpu.vector_store %arg5[%swap3A_77], %swap3A_80 {strides = array<i32>} : memref<50688xi32, #tpu.memory_space<vmem>>, vector<16xi32>,
        %mul3A_81 = arith.constant 8 : i32
        %mul3A_82 = arith.muli %scan3A_28, %mul3A_81 : i32
        %add3A_83 = arith.constant 3 : i32
        %add3A_84 = arith.addi %mul3A_82, %add3A_83 : i32
        %get3A_85 = arith.index_cast %add3A_84 : i32 to index
        %get3A_86 = arith.constant 0 : index
        %get3A_87 = tpu.vector_load %run_scoped3A[%get3A_85, %get3A_86] {strides = array<i32>} : memref<3168x16xi32, #tpu.memory_space<vmem>>, vector<1x16xi32>,
        %get3A_88 = vector.shape_cast %get3A_87 : vector<1x16xi32> to vector<16xi32>
        %mul3A_89 = arith.constant 8 : i32
        %mul3A_90 = arith.muli %scan3A_28, %mul3A_89 : i32
        %add3A_91 = arith.constant 3 : i32
        %add3A_92 = arith.addi %mul3A_90, %add3A_91 : i32
        %mul3A_93 = arith.constant 16 : i32
        %mul3A_94 = arith.muli %add3A_92, %mul3A_93 : i32
        %swap3A_95 = arith.index_cast %mul3A_94 : i32 to index
        %swap3A_96 = tpu.vector_load %arg5[%swap3A_95] {strides = array<i32>} : memref<50688xi32, #tpu.memory_space<vmem>>, vector<16xi32>,
        %swap3A_97 = vector.shape_cast %swap3A_96 : vector<16xi32> to vector<16xi32>
        %swap3A_98 = vector.shape_cast %get3A_88 : vector<16xi32> to vector<16xi32>
        tpu.vector_store %arg5[%swap3A_95], %swap3A_98 {strides = array<i32>} : memref<50688xi32, #tpu.memory_space<vmem>>, vector<16xi32>,
        %mul3A_99 = arith.constant 8 : i32
        %mul3A_100 = arith.muli %scan3A_28, %mul3A_99 : i32
        %add3A_101 = arith.constant 4 : i32
        %add3A_102 = arith.addi %mul3A_100, %add3A_101 : i32
        %get3A_103 = arith.index_cast %add3A_102 : i32 to index
        %get3A_104 = arith.constant 0 : index
        %get3A_105 = tpu.vector_load %run_scoped3A[%get3A_103, %get3A_104] {strides = array<i32>} : memref<3168x16xi32, #tpu.memory_space<vmem>>, vector<1x16xi32>,
        %get3A_106 = vector.shape_cast %get3A_105 : vector<1x16xi32> to vector<16xi32>
        %mul3A_107 = arith.constant 8 : i32
        %mul3A_108 = arith.muli %scan3A_28, %mul3A_107 : i32
        %add3A_109 = arith.constant 4 : i32
        %add3A_110 = arith.addi %mul3A_108, %add3A_109 : i32
        %mul3A_111 = arith.constant 16 : i32
        %mul3A_112 = arith.muli %add3A_110, %mul3A_111 : i32
        %swap3A_113 = arith.index_cast %mul3A_112 : i32 to index
        %swap3A_114 = tpu.vector_load %arg5[%swap3A_113] {strides = array<i32>} : memref<50688xi32, #tpu.memory_space<vmem>>, vector<16xi32>,
        %swap3A_115 = vector.shape_cast %swap3A_114 : vector<16xi32> to vector<16xi32>
        %swap3A_116 = vector.shape_cast %get3A_106 : vector<16xi32> to vector<16xi32>
        tpu.vector_store %arg5[%swap3A_113], %swap3A_116 {strides = array<i32>} : memref<50688xi32, #tpu.memory_space<vmem>>, vector<16xi32>,
        %mul3A_117 = arith.constant 8 : i32
        %mul3A_118 = arith.muli %scan3A_28, %mul3A_117 : i32
        %add3A_119 = arith.constant 5 : i32
        %add3A_120 = arith.addi %mul3A_118, %add3A_119 : i32
        %get3A_121 = arith.index_cast %add3A_120 : i32 to index
        %get3A_122 = arith.constant 0 : index
        %get3A_123 = tpu.vector_load %run_scoped3A[%get3A_121, %get3A_122] {strides = array<i32>} : memref<3168x16xi32, #tpu.memory_space<vmem>>, vector<1x16xi32>,
        %get3A_124 = vector.shape_cast %get3A_123 : vector<1x16xi32> to vector<16xi32>
        %mul3A_125 = arith.constant 8 : i32
        %mul3A_126 = arith.muli %scan3A_28, %mul3A_125 : i32
        %add3A_127 = arith.constant 5 : i32
        %add3A_128 = arith.addi %mul3A_126, %add3A_127 : i32
        %mul3A_129 = arith.constant 16 : i32
        %mul3A_130 = arith.muli %add3A_128, %mul3A_129 : i32
        %swap3A_131 = arith.index_cast %mul3A_130 : i32 to index
        %swap3A_132 = tpu.vector_load %arg5[%swap3A_131] {strides = array<i32>} : memref<50688xi32, #tpu.memory_space<vmem>>, vector<16xi32>,
        %swap3A_133 = vector.shape_cast %swap3A_132 : vector<16xi32> to vector<16xi32>
        %swap3A_134 = vector.shape_cast %get3A_124 : vector<16xi32> to vector<16xi32>
        tpu.vector_store %arg5[%swap3A_131], %swap3A_134 {strides = array<i32>} : memref<50688xi32, #tpu.memory_space<vmem>>, vector<16xi32>,
        %mul3A_135 = arith.constant 8 : i32
        %mul3A_136 = arith.muli %scan3A_28, %mul3A_135 : i32
        %add3A_137 = arith.constant 6 : i32
        %add3A_138 = arith.addi %mul3A_136, %add3A_137 : i32
        %get3A_139 = arith.index_cast %add3A_138 : i32 to index
        %get3A_140 = arith.constant 0 : index
        %get3A_141 = tpu.vector_load %run_scoped3A[%get3A_139, %get3A_140] {strides = array<i32>} : memref<3168x16xi32, #tpu.memory_space<vmem>>, vector<1x16xi32>,
        %get3A_142 = vector.shape_cast %get3A_141 : vector<1x16xi32> to vector<16xi32>
        %mul3A_143 = arith.constant 8 : i32
        %mul3A_144 = arith.muli %scan3A_28, %mul3A_143 : i32
        %add3A_145 = arith.constant 6 : i32
        %add3A_146 = arith.addi %mul3A_144, %add3A_145 : i32
        %mul3A_147 = arith.constant 16 : i32
        %mul3A_148 = arith.muli %add3A_146, %mul3A_147 : i32
        %swap3A_149 = arith.index_cast %mul3A_148 : i32 to index
        %swap3A_150 = tpu.vector_load %arg5[%swap3A_149] {strides = array<i32>} : memref<50688xi32, #tpu.memory_space<vmem>>, vector<16xi32>,
        %swap3A_151 = vector.shape_cast %swap3A_150 : vector<16xi32> to vector<16xi32>
        %swap3A_152 = vector.shape_cast %get3A_142 : vector<16xi32> to vector<16xi32>
        tpu.vector_store %arg5[%swap3A_149], %swap3A_152 {strides = array<i32>} : memref<50688xi32, #tpu.memory_space<vmem>>, vector<16xi32>,
        %mul3A_153 = arith.constant 8 : i32
        %mul3A_154 = arith.muli %scan3A_28, %mul3A_153 : i32
        %add3A_155 = arith.constant 7 : i32
        %add3A_156 = arith.addi %mul3A_154, %add3A_155 : i32
        %get3A_157 = arith.index_cast %add3A_156 : i32 to index
        %get3A_158 = arith.constant 0 : index
        %get3A_159 = tpu.vector_load %run_scoped3A[%get3A_157, %get3A_158] {strides = array<i32>} : memref<3168x16xi32, #tpu.memory_space<vmem>>, vector<1x16xi32>,
        %get3A_160 = vector.shape_cast %get3A_159 : vector<1x16xi32> to vector<16xi32>
        %mul3A_161 = arith.constant 8 : i32
        %mul3A_162 = arith.muli %scan3A_28, %mul3A_161 : i32
        %add3A_163 = arith.constant 7 : i32
        %add3A_164 = arith.addi %mul3A_162, %add3A_163 : i32
        %mul3A_165 = arith.constant 16 : i32
        %mul3A_166 = arith.muli %add3A_164, %mul3A_165 : i32
        %swap3A_167 = arith.index_cast %mul3A_166 : i32 to index
        %swap3A_168 = tpu.vector_load %arg5[%swap3A_167] {strides = array<i32>} : memref<50688xi32, #tpu.memory_space<vmem>>, vector<16xi32>,
        %swap3A_169 = vector.shape_cast %swap3A_168 : vector<16xi32> to vector<16xi32>
        %swap3A_170 = vector.shape_cast %get3A_160 : vector<16xi32> to vector<16xi32>
        tpu.vector_store %arg5[%swap3A_167], %swap3A_170 {strides = array<i32>} : memref<50688xi32, #tpu.memory_space<vmem>>, vector<16xi32>,
      }
      %scan3A_27 = arith.constant 396 : i32
      tpu.yield
    }) : () -> ()
    %dma_start3A = arith.constant 0 : i32
    %dma_start3A_4 = arith.constant 0 : i32
    %dma_start3A_5 = arith.constant 0 : i32
    %dma_start3A_6 = tpu.memref_slice %arg6[%dma_start3A, %dma_start3A_4, %dma_start3A_5] : memref<2x768x16xf32, #tpu.memory_space<vmem>> -> memref<1x768x16xf32, #tpu.memory_space<vmem>>
    %dma_start3A_7 = tpu.memref_squeeze %dma_start3A_6 : memref<1x768x16xf32, #tpu.memory_space<vmem>> -> memref<768x16xf32, #tpu.memory_space<vmem>>
    %dma_start3A_8 = arith.constant 0 : i32
    %dma_start3A_9 = tpu.memref_slice %arg5[%dma_start3A_8] : memref<50688xi32, #tpu.memory_space<vmem>> -> memref<768xi32, #tpu.memory_space<vmem>>
    %dma_start3A_10 = arith.constant 0 : i32
    %dma_start3A_11 = arith.constant 0 : i32
    %dma_start3A_12 = tpu.memref_slice %arg2[%dma_start3A_10, %dma_start3A_11] : memref<100000x16xf32, #tpu.memory_space<hbm>> -> memref<100000x16xf32, #tpu.memory_space<hbm>>
    tpu.enqueue_indirect_dma source(%dma_start3A_12 : memref<100000x16xf32, #tpu.memory_space<hbm>>) target(%dma_start3A_7 : memref<768x16xf32, #tpu.memory_space<vmem>>) offsets(%dma_start3A_9 : memref<768xi32, #tpu.memory_space<vmem>>) semaphore(%arg7 : memref<!tpu.dma_semaphore, #tpu.memory_space<semaphore_mem>>)
    %dma_start3A_13 = arith.constant 1 : i32
    %dma_start3A_14 = arith.constant 0 : i32
    %dma_start3A_15 = arith.constant 0 : i32
    %dma_start3A_16 = tpu.memref_slice %arg6[%dma_start3A_13, %dma_start3A_14, %dma_start3A_15] : memref<2x768x16xf32, #tpu.memory_space<vmem>> -> memref<1x768x16xf32, #tpu.memory_space<vmem>>
    %dma_start3A_17 = tpu.memref_squeeze %dma_start3A_16 : memref<1x768x16xf32, #tpu.memory_space<vmem>> -> memref<768x16xf32, #tpu.memory_space<vmem>>
    %dma_start3A_18 = arith.constant 768 : i32
    %dma_start3A_19 = tpu.memref_slice %arg5[%dma_start3A_18] : memref<50688xi32, #tpu.memory_space<vmem>> -> memref<768xi32, #tpu.memory_space<vmem>>
    %dma_start3A_20 = arith.constant 0 : i32
    %dma_start3A_21 = arith.constant 0 : i32
    %dma_start3A_22 = tpu.memref_slice %arg2[%dma_start3A_20, %dma_start3A_21] : memref<100000x16xf32, #tpu.memory_space<hbm>> -> memref<100000x16xf32, #tpu.memory_space<hbm>>
    tpu.enqueue_indirect_dma source(%dma_start3A_22 : memref<100000x16xf32, #tpu.memory_space<hbm>>) target(%dma_start3A_17 : memref<768x16xf32, #tpu.memory_space<vmem>>) offsets(%dma_start3A_19 : memref<768xi32, #tpu.memory_space<vmem>>) semaphore(%arg8 : memref<!tpu.dma_semaphore, #tpu.memory_space<semaphore_mem>>)
    "tpu.region"() ({
      %run_scoped3A = memref.alloca() : memref<3168x16xf32, #tpu.memory_space<vmem>>
      %scan3A = arith.constant 0 : i32
      %scan3A_23 = arith.constant 0 : i32
      %scan3A_24 = arith.constant 33 : i32
      %scan3A_25 = arith.addi %scan3A_23, %scan3A_24 : i32
      %scan3A_26 = arith.constant 1 : i32
      scf.for %scan3A_28 = %scan3A_23 to %scan3A_25 step %scan3A_26  : i32 {
        %mul3A_29 = arith.constant 2 : i32
        %mul3A_30 = arith.muli %mul3A_29, %scan3A_28 : i32
        %add3A_31 = arith.constant 0 : i32
        %add3A_32 = arith.addi %mul3A_30, %add3A_31 : i32
        %dma_wait3A = arith.constant 0 : i32
        %dma_wait3A_33 = arith.constant 0 : i32
        %dma_wait3A_34 = arith.constant 0 : i32
        %dma_wait3A_35 = tpu.memref_slice %arg6[%dma_wait3A, %dma_wait3A_33, %dma_wait3A_34] : memref<2x768x16xf32, #tpu.memory_space<vmem>> -> memref<1x768x16xf32, #tpu.memory_space<vmem>>
        %dma_wait3A_36 = tpu.memref_squeeze %dma_wait3A_35 : memref<1x768x16xf32, #tpu.memory_space<vmem>> -> memref<768x16xf32, #tpu.memory_space<vmem>>
        %dma_wait3A_37 = arith.constant 0 : i32
        %dma_wait3A_38 = arith.constant 0 : i32
        %dma_wait3A_39 = tpu.memref_slice %arg2[%dma_wait3A_37, %dma_wait3A_38] : memref<100000x16xf32, #tpu.memory_space<hbm>> -> memref<768x16xf32, #tpu.memory_space<hbm>>
        %dma_wait3A_40 = arith.constant 0 : i32
        %dma_wait3A_41 = arith.constant 0 : i32
        %dma_wait3A_42 = tpu.memref_slice %arg6[%dma_wait3A, %dma_wait3A_40, %dma_wait3A_41] : memref<2x768x16xf32, #tpu.memory_space<vmem>> -> memref<1x768x16xf32, #tpu.memory_space<vmem>>
        %dma_wait3A_43 = tpu.memref_squeeze %dma_wait3A_42 : memref<1x768x16xf32, #tpu.memory_space<vmem>> -> memref<768x16xf32, #tpu.memory_space<vmem>>
        %dma_wait3A_44 = arith.constant 0 : i32
        %dma_wait3A_45 = arith.constant 0 : i32
        %dma_wait3A_46 = tpu.memref_slice %arg2[%dma_wait3A_44, %dma_wait3A_45] : memref<100000x16xf32, #tpu.memory_space<hbm>> -> memref<768x16xf32, #tpu.memory_space<hbm>>
        tpu.wait_dma2 semaphore(%arg7 : memref<!tpu.dma_semaphore, #tpu.memory_space<semaphore_mem>>) src(%dma_wait3A_46 : memref<768x16xf32, #tpu.memory_space<hbm>>) dst(%dma_wait3A_43 : memref<768x16xf32, #tpu.memory_space<vmem>>)
        %scan3A_47 = arith.constant 0 : i32
        %scan3A_48 = arith.constant 0 : i32
        %scan3A_49 = arith.constant 48 : i32
        %scan3A_50 = arith.addi %scan3A_48, %scan3A_49 : i32
        %scan3A_51 = arith.constant 1 : i32
        scf.for %scan3A_89 = %scan3A_48 to %scan3A_50 step %scan3A_51  : i32 {
          %mul3A_90 = arith.constant 16 : i32
          %mul3A_91 = arith.muli %scan3A_89, %mul3A_90 : i32
          %add3A_92 = arith.constant 0 : i32
          %add3A_93 = arith.addi %mul3A_91, %add3A_92 : i32
          %get3A = arith.constant 0 : i32
          %get3A_94 = arith.index_cast %get3A : i32 to index
          %get3A_95 = arith.index_cast %add3A_93 : i32 to index
          %get3A_96 = arith.constant 0 : index
          %get3A_97 = tpu.vector_load %arg6[%get3A_94, %get3A_95, %get3A_96] {strides = array<i32>} : memref<2x768x16xf32, #tpu.memory_space<vmem>>, vector<1x1x16xf32>,
          %get3A_98 = vector.shape_cast %get3A_97 : vector<1x1x16xf32> to vector<16xf32>
          %mul3A_99 = arith.constant 16 : i32
          %mul3A_100 = arith.muli %scan3A_89, %mul3A_99 : i32
          %add3A_101 = arith.constant 1 : i32
          %add3A_102 = arith.addi %mul3A_100, %add3A_101 : i32
          %get3A_103 = arith.constant 0 : i32
          %get3A_104 = arith.index_cast %get3A_103 : i32 to index
          %get3A_105 = arith.index_cast %add3A_102 : i32 to index
          %get3A_106 = arith.constant 0 : index
          %get3A_107 = tpu.vector_load %arg6[%get3A_104, %get3A_105, %get3A_106] {strides = array<i32>} : memref<2x768x16xf32, #tpu.memory_space<vmem>>, vector<1x1x16xf32>,
          %get3A_108 = vector.shape_cast %get3A_107 : vector<1x1x16xf32> to vector<16xf32>
          %mul3A_109 = arith.constant 16 : i32
          %mul3A_110 = arith.muli %scan3A_89, %mul3A_109 : i32
          %add3A_111 = arith.constant 2 : i32
          %add3A_112 = arith.addi %mul3A_110, %add3A_111 : i32
          %get3A_113 = arith.constant 0 : i32
          %get3A_114 = arith.index_cast %get3A_113 : i32 to index
          %get3A_115 = arith.index_cast %add3A_112 : i32 to index
          %get3A_116 = arith.constant 0 : index
          %get3A_117 = tpu.vector_load %arg6[%get3A_114, %get3A_115, %get3A_116] {strides = array<i32>} : memref<2x768x16xf32, #tpu.memory_space<vmem>>, vector<1x1x16xf32>,
          %get3A_118 = vector.shape_cast %get3A_117 : vector<1x1x16xf32> to vector<16xf32>
          %mul3A_119 = arith.constant 16 : i32
          %mul3A_120 = arith.muli %scan3A_89, %mul3A_119 : i32
          %add3A_121 = arith.constant 3 : i32
          %add3A_122 = arith.addi %mul3A_120, %add3A_121 : i32
          %get3A_123 = arith.constant 0 : i32
          %get3A_124 = arith.index_cast %get3A_123 : i32 to index
          %get3A_125 = arith.index_cast %add3A_122 : i32 to index
          %get3A_126 = arith.constant 0 : index
          %get3A_127 = tpu.vector_load %arg6[%get3A_124, %get3A_125, %get3A_126] {strides = array<i32>} : memref<2x768x16xf32, #tpu.memory_space<vmem>>, vector<1x1x16xf32>,
          %get3A_128 = vector.shape_cast %get3A_127 : vector<1x1x16xf32> to vector<16xf32>
          %mul3A_129 = arith.constant 16 : i32
          %mul3A_130 = arith.muli %scan3A_89, %mul3A_129 : i32
          %add3A_131 = arith.constant 4 : i32
          %add3A_132 = arith.addi %mul3A_130, %add3A_131 : i32
          %get3A_133 = arith.constant 0 : i32
          %get3A_134 = arith.index_cast %get3A_133 : i32 to index
          %get3A_135 = arith.index_cast %add3A_132 : i32 to index
          %get3A_136 = arith.constant 0 : index
          %get3A_137 = tpu.vector_load %arg6[%get3A_134, %get3A_135, %get3A_136] {strides = array<i32>} : memref<2x768x16xf32, #tpu.memory_space<vmem>>, vector<1x1x16xf32>,
          %get3A_138 = vector.shape_cast %get3A_137 : vector<1x1x16xf32> to vector<16xf32>
          %mul3A_139 = arith.constant 16 : i32
          %mul3A_140 = arith.muli %scan3A_89, %mul3A_139 : i32
          %add3A_141 = arith.constant 5 : i32
          %add3A_142 = arith.addi %mul3A_140, %add3A_141 : i32
          %get3A_143 = arith.constant 0 : i32
          %get3A_144 = arith.index_cast %get3A_143 : i32 to index
          %get3A_145 = arith.index_cast %add3A_142 : i32 to index
          %get3A_146 = arith.constant 0 : index
          %get3A_147 = tpu.vector_load %arg6[%get3A_144, %get3A_145, %get3A_146] {strides = array<i32>} : memref<2x768x16xf32, #tpu.memory_space<vmem>>, vector<1x1x16xf32>,
          %get3A_148 = vector.shape_cast %get3A_147 : vector<1x1x16xf32> to vector<16xf32>
          %mul3A_149 = arith.constant 16 : i32
          %mul3A_150 = arith.muli %scan3A_89, %mul3A_149 : i32
          %add3A_151 = arith.constant 6 : i32
          %add3A_152 = arith.addi %mul3A_150, %add3A_151 : i32
          %get3A_153 = arith.constant 0 : i32
          %get3A_154 = arith.index_cast %get3A_153 : i32 to index
          %get3A_155 = arith.index_cast %add3A_152 : i32 to index
          %get3A_156 = arith.constant 0 : index
          %get3A_157 = tpu.vector_load %arg6[%get3A_154, %get3A_155, %get3A_156] {strides = array<i32>} : memref<2x768x16xf32, #tpu.memory_space<vmem>>, vector<1x1x16xf32>,
          %get3A_158 = vector.shape_cast %get3A_157 : vector<1x1x16xf32> to vector<16xf32>
          %mul3A_159 = arith.constant 16 : i32
          %mul3A_160 = arith.muli %scan3A_89, %mul3A_159 : i32
          %add3A_161 = arith.constant 7 : i32
          %add3A_162 = arith.addi %mul3A_160, %add3A_161 : i32
          %get3A_163 = arith.constant 0 : i32
          %get3A_164 = arith.index_cast %get3A_163 : i32 to index
          %get3A_165 = arith.index_cast %add3A_162 : i32 to index
          %get3A_166 = arith.constant 0 : index
          %get3A_167 = tpu.vector_load %arg6[%get3A_164, %get3A_165, %get3A_166] {strides = array<i32>} : memref<2x768x16xf32, #tpu.memory_space<vmem>>, vector<1x1x16xf32>,
          %get3A_168 = vector.shape_cast %get3A_167 : vector<1x1x16xf32> to vector<16xf32>
          %mul3A_169 = arith.constant 16 : i32
          %mul3A_170 = arith.muli %scan3A_89, %mul3A_169 : i32
          %add3A_171 = arith.constant 8 : i32
          %add3A_172 = arith.addi %mul3A_170, %add3A_171 : i32
          %get3A_173 = arith.constant 0 : i32
          %get3A_174 = arith.index_cast %get3A_173 : i32 to index
          %get3A_175 = arith.index_cast %add3A_172 : i32 to index
          %get3A_176 = arith.constant 0 : index
          %get3A_177 = tpu.vector_load %arg6[%get3A_174, %get3A_175, %get3A_176] {strides = array<i32>} : memref<2x768x16xf32, #tpu.memory_space<vmem>>, vector<1x1x16xf32>,
          %get3A_178 = vector.shape_cast %get3A_177 : vector<1x1x16xf32> to vector<16xf32>
          %mul3A_179 = arith.constant 16 : i32
          %mul3A_180 = arith.muli %scan3A_89, %mul3A_179 : i32
          %add3A_181 = arith.constant 9 : i32
          %add3A_182 = arith.addi %mul3A_180, %add3A_181 : i32
          %get3A_183 = arith.constant 0 : i32
          %get3A_184 = arith.index_cast %get3A_183 : i32 to index
          %get3A_185 = arith.index_cast %add3A_182 : i32 to index
          %get3A_186 = arith.constant 0 : index
          %get3A_187 = tpu.vector_load %arg6[%get3A_184, %get3A_185, %get3A_186] {strides = array<i32>} : memref<2x768x16xf32, #tpu.memory_space<vmem>>, vector<1x1x16xf32>,
          %get3A_188 = vector.shape_cast %get3A_187 : vector<1x1x16xf32> to vector<16xf32>
          %mul3A_189 = arith.constant 16 : i32
          %mul3A_190 = arith.muli %scan3A_89, %mul3A_189 : i32
          %add3A_191 = arith.constant 10 : i32
          %add3A_192 = arith.addi %mul3A_190, %add3A_191 : i32
          %get3A_193 = arith.constant 0 : i32
          %get3A_194 = arith.index_cast %get3A_193 : i32 to index
          %get3A_195 = arith.index_cast %add3A_192 : i32 to index
          %get3A_196 = arith.constant 0 : index
          %get3A_197 = tpu.vector_load %arg6[%get3A_194, %get3A_195, %get3A_196] {strides = array<i32>} : memref<2x768x16xf32, #tpu.memory_space<vmem>>, vector<1x1x16xf32>,
          %get3A_198 = vector.shape_cast %get3A_197 : vector<1x1x16xf32> to vector<16xf32>
          %mul3A_199 = arith.constant 16 : i32
          %mul3A_200 = arith.muli %scan3A_89, %mul3A_199 : i32
          %add3A_201 = arith.constant 11 : i32
          %add3A_202 = arith.addi %mul3A_200, %add3A_201 : i32
          %get3A_203 = arith.constant 0 : i32
          %get3A_204 = arith.index_cast %get3A_203 : i32 to index
          %get3A_205 = arith.index_cast %add3A_202 : i32 to index
          %get3A_206 = arith.constant 0 : index
          %get3A_207 = tpu.vector_load %arg6[%get3A_204, %get3A_205, %get3A_206] {strides = array<i32>} : memref<2x768x16xf32, #tpu.memory_space<vmem>>, vector<1x1x16xf32>,
          %get3A_208 = vector.shape_cast %get3A_207 : vector<1x1x16xf32> to vector<16xf32>
          %mul3A_209 = arith.constant 16 : i32
          %mul3A_210 = arith.muli %scan3A_89, %mul3A_209 : i32
          %add3A_211 = arith.constant 12 : i32
          %add3A_212 = arith.addi %mul3A_210, %add3A_211 : i32
          %get3A_213 = arith.constant 0 : i32
          %get3A_214 = arith.index_cast %get3A_213 : i32 to index
          %get3A_215 = arith.index_cast %add3A_212 : i32 to index
          %get3A_216 = arith.constant 0 : index
          %get3A_217 = tpu.vector_load %arg6[%get3A_214, %get3A_215, %get3A_216] {strides = array<i32>} : memref<2x768x16xf32, #tpu.memory_space<vmem>>, vector<1x1x16xf32>,
          %get3A_218 = vector.shape_cast %get3A_217 : vector<1x1x16xf32> to vector<16xf32>
          %mul3A_219 = arith.constant 16 : i32
          %mul3A_220 = arith.muli %scan3A_89, %mul3A_219 : i32
          %add3A_221 = arith.constant 13 : i32
          %add3A_222 = arith.addi %mul3A_220, %add3A_221 : i32
          %get3A_223 = arith.constant 0 : i32
          %get3A_224 = arith.index_cast %get3A_223 : i32 to index
          %get3A_225 = arith.index_cast %add3A_222 : i32 to index
          %get3A_226 = arith.constant 0 : index
          %get3A_227 = tpu.vector_load %arg6[%get3A_224, %get3A_225, %get3A_226] {strides = array<i32>} : memref<2x768x16xf32, #tpu.memory_space<vmem>>, vector<1x1x16xf32>,
          %get3A_228 = vector.shape_cast %get3A_227 : vector<1x1x16xf32> to vector<16xf32>
          %mul3A_229 = arith.constant 16 : i32
          %mul3A_230 = arith.muli %scan3A_89, %mul3A_229 : i32
          %add3A_231 = arith.constant 14 : i32
          %add3A_232 = arith.addi %mul3A_230, %add3A_231 : i32
          %get3A_233 = arith.constant 0 : i32
          %get3A_234 = arith.index_cast %get3A_233 : i32 to index
          %get3A_235 = arith.index_cast %add3A_232 : i32 to index
          %get3A_236 = arith.constant 0 : index
          %get3A_237 = tpu.vector_load %arg6[%get3A_234, %get3A_235, %get3A_236] {strides = array<i32>} : memref<2x768x16xf32, #tpu.memory_space<vmem>>, vector<1x1x16xf32>,
          %get3A_238 = vector.shape_cast %get3A_237 : vector<1x1x16xf32> to vector<16xf32>
          %mul3A_239 = arith.constant 16 : i32
          %mul3A_240 = arith.muli %scan3A_89, %mul3A_239 : i32
          %add3A_241 = arith.constant 15 : i32
          %add3A_242 = arith.addi %mul3A_240, %add3A_241 : i32
          %get3A_243 = arith.constant 0 : i32
          %get3A_244 = arith.index_cast %get3A_243 : i32 to index
          %get3A_245 = arith.index_cast %add3A_242 : i32 to index
          %get3A_246 = arith.constant 0 : index
          %get3A_247 = tpu.vector_load %arg6[%get3A_244, %get3A_245, %get3A_246] {strides = array<i32>} : memref<2x768x16xf32, #tpu.memory_space<vmem>>, vector<1x1x16xf32>,
          %get3A_248 = vector.shape_cast %get3A_247 : vector<1x1x16xf32> to vector<16xf32>
          %add3A_249 = arith.addf %get3A_98, %get3A_108 : vector<16xf32>
          %add3A_250 = arith.addf %get3A_118, %get3A_128 : vector<16xf32>
          %add3A_251 = arith.addf %get3A_138, %get3A_148 : vector<16xf32>
          %add3A_252 = arith.addf %get3A_158, %get3A_168 : vector<16xf32>
          %add3A_253 = arith.addf %get3A_178, %get3A_188 : vector<16xf32>
          %add3A_254 = arith.addf %get3A_198, %get3A_208 : vector<16xf32>
          %add3A_255 = arith.addf %get3A_218, %get3A_228 : vector<16xf32>
          %add3A_256 = arith.addf %get3A_238, %get3A_248 : vector<16xf32>
          %add3A_257 = arith.addf %add3A_249, %add3A_250 : vector<16xf32>
          %add3A_258 = arith.addf %add3A_251, %add3A_252 : vector<16xf32>
          %add3A_259 = arith.addf %add3A_253, %add3A_254 : vector<16xf32>
          %add3A_260 = arith.addf %add3A_255, %add3A_256 : vector<16xf32>
          %add3A_261 = arith.addf %add3A_257, %add3A_258 : vector<16xf32>
          %add3A_262 = arith.addf %add3A_259, %add3A_260 : vector<16xf32>
          %add3A_263 = arith.addf %add3A_261, %add3A_262 : vector<16xf32>
          %mul3A_264 = arith.constant 48 : i32
          %mul3A_265 = arith.muli %add3A_32, %mul3A_264 : i32
          %add3A_266 = arith.addi %mul3A_265, %scan3A_89 : i32
          %swap3A = arith.index_cast %add3A_266 : i32 to index
          %swap3A_267 = arith.constant 0 : index
          %swap3A_268 = tpu.vector_load %run_scoped3A[%swap3A, %swap3A_267] {strides = array<i32>} : memref<3168x16xf32, #tpu.memory_space<vmem>>, vector<1x16xf32>,
          %swap3A_269 = vector.shape_cast %swap3A_268 : vector<1x16xf32> to vector<16xf32>
          %swap3A_270 = vector.shape_cast %add3A_263 : vector<16xf32> to vector<1x16xf32>
          tpu.vector_store %run_scoped3A[%swap3A, %swap3A_267], %swap3A_270 {strides = array<i32>} : memref<3168x16xf32, #tpu.memory_space<vmem>>, vector<1x16xf32>,
        }
        %scan3A_52 = arith.constant 48 : i32
        %add3A_53 = arith.constant 2 : i32
        %add3A_54 = arith.addi %add3A_32, %add3A_53 : i32
        %lt3A = arith.constant 66 : i32
        %lt3A_55 = arith.cmpi slt, %add3A_54, %lt3A : i32
        %convert_element_type3A = arith.extui %lt3A_55 : i1 to i32
        %cond3A = arith.constant 0 : i32
        %cond3A_56 = arith.cmpi ne, %convert_element_type3A, %cond3A : i32
        scf.if %cond3A_56 {
          %add3A_89 = arith.constant 2 : i32
          %add3A_90 = arith.addi %add3A_32, %add3A_89 : i32
          %mul3A_91 = arith.constant 768 : i32
          %mul3A_92 = arith.muli %add3A_90, %mul3A_91 : i32
          %dma_start3A_93 = arith.constant 0 : i32
          %dma_start3A_94 = arith.constant 0 : i32
          %dma_start3A_95 = arith.constant 0 : i32
          %dma_start3A_96 = tpu.memref_slice %arg6[%dma_start3A_93, %dma_start3A_94, %dma_start3A_95] : memref<2x768x16xf32, #tpu.memory_space<vmem>> -> memref<1x768x16xf32, #tpu.memory_space<vmem>>
          %dma_start3A_97 = tpu.memref_squeeze %dma_start3A_96 : memref<1x768x16xf32, #tpu.memory_space<vmem>> -> memref<768x16xf32, #tpu.memory_space<vmem>>
          %dma_start3A_98 = tpu.memref_slice %arg5[%mul3A_92] : memref<50688xi32, #tpu.memory_space<vmem>> -> memref<768xi32, #tpu.memory_space<vmem>>
          %dma_start3A_99 = arith.constant 0 : i32
          %dma_start3A_100 = arith.constant 0 : i32
          %dma_start3A_101 = tpu.memref_slice %arg2[%dma_start3A_99, %dma_start3A_100] : memref<100000x16xf32, #tpu.memory_space<hbm>> -> memref<100000x16xf32, #tpu.memory_space<hbm>>
          tpu.enqueue_indirect_dma source(%dma_start3A_101 : memref<100000x16xf32, #tpu.memory_space<hbm>>) target(%dma_start3A_97 : memref<768x16xf32, #tpu.memory_space<vmem>>) offsets(%dma_start3A_98 : memref<768xi32, #tpu.memory_space<vmem>>) semaphore(%arg7 : memref<!tpu.dma_semaphore, #tpu.memory_space<semaphore_mem>>)
        } else {
        }
        %mul3A_57 = arith.constant 2 : i32
        %mul3A_58 = arith.muli %mul3A_57, %scan3A_28 : i32
        %add3A_59 = arith.constant 1 : i32
        %add3A_60 = arith.addi %mul3A_58, %add3A_59 : i32
        %dma_wait3A_61 = arith.constant 1 : i32
        %dma_wait3A_62 = arith.constant 0 : i32
        %dma_wait3A_63 = arith.constant 0 : i32
        %dma_wait3A_64 = tpu.memref_slice %arg6[%dma_wait3A_61, %dma_wait3A_62, %dma_wait3A_63] : memref<2x768x16xf32, #tpu.memory_space<vmem>> -> memref<1x768x16xf32, #tpu.memory_space<vmem>>
        %dma_wait3A_65 = tpu.memref_squeeze %dma_wait3A_64 : memref<1x768x16xf32, #tpu.memory_space<vmem>> -> memref<768x16xf32, #tpu.memory_space<vmem>>
        %dma_wait3A_66 = arith.constant 0 : i32
        %dma_wait3A_67 = arith.constant 0 : i32
        %dma_wait3A_68 = tpu.memref_slice %arg2[%dma_wait3A_66, %dma_wait3A_67] : memref<100000x16xf32, #tpu.memory_space<hbm>> -> memref<768x16xf32, #tpu.memory_space<hbm>>
        %dma_wait3A_69 = arith.constant 0 : i32
        %dma_wait3A_70 = arith.constant 0 : i32
        %dma_wait3A_71 = tpu.memref_slice %arg6[%dma_wait3A_61, %dma_wait3A_69, %dma_wait3A_70] : memref<2x768x16xf32, #tpu.memory_space<vmem>> -> memref<1x768x16xf32, #tpu.memory_space<vmem>>
        %dma_wait3A_72 = tpu.memref_squeeze %dma_wait3A_71 : memref<1x768x16xf32, #tpu.memory_space<vmem>> -> memref<768x16xf32, #tpu.memory_space<vmem>>
        %dma_wait3A_73 = arith.constant 0 : i32
        %dma_wait3A_74 = arith.constant 0 : i32
        %dma_wait3A_75 = tpu.memref_slice %arg2[%dma_wait3A_73, %dma_wait3A_74] : memref<100000x16xf32, #tpu.memory_space<hbm>> -> memref<768x16xf32, #tpu.memory_space<hbm>>
        tpu.wait_dma2 semaphore(%arg8 : memref<!tpu.dma_semaphore, #tpu.memory_space<semaphore_mem>>) src(%dma_wait3A_75 : memref<768x16xf32, #tpu.memory_space<hbm>>) dst(%dma_wait3A_72 : memref<768x16xf32, #tpu.memory_space<vmem>>)
        %scan3A_76 = arith.constant 0 : i32
        %scan3A_77 = arith.constant 0 : i32
        %scan3A_78 = arith.constant 48 : i32
        %scan3A_79 = arith.addi %scan3A_77, %scan3A_78 : i32
        %scan3A_80 = arith.constant 1 : i32
        scf.for %scan3A_89 = %scan3A_77 to %scan3A_79 step %scan3A_80  : i32 {
          %mul3A_90 = arith.constant 16 : i32
          %mul3A_91 = arith.muli %scan3A_89, %mul3A_90 : i32
          %add3A_92 = arith.constant 0 : i32
          %add3A_93 = arith.addi %mul3A_91, %add3A_92 : i32
          %get3A = arith.constant 1 : i32
          %get3A_94 = arith.index_cast %get3A : i32 to index
          %get3A_95 = arith.index_cast %add3A_93 : i32 to index
          %get3A_96 = arith.constant 0 : index
          %get3A_97 = tpu.vector_load %arg6[%get3A_94, %get3A_95, %get3A_96] {strides = array<i32>} : memref<2x768x16xf32, #tpu.memory_space<vmem>>, vector<1x1x16xf32>,
          %get3A_98 = vector.shape_cast %get3A_97 : vector<1x1x16xf32> to vector<16xf32>
          %mul3A_99 = arith.constant 16 : i32
          %mul3A_100 = arith.muli %scan3A_89, %mul3A_99 : i32
          %add3A_101 = arith.constant 1 : i32
          %add3A_102 = arith.addi %mul3A_100, %add3A_101 : i32
          %get3A_103 = arith.constant 1 : i32
          %get3A_104 = arith.index_cast %get3A_103 : i32 to index
          %get3A_105 = arith.index_cast %add3A_102 : i32 to index
          %get3A_106 = arith.constant 0 : index
          %get3A_107 = tpu.vector_load %arg6[%get3A_104, %get3A_105, %get3A_106] {strides = array<i32>} : memref<2x768x16xf32, #tpu.memory_space<vmem>>, vector<1x1x16xf32>,
          %get3A_108 = vector.shape_cast %get3A_107 : vector<1x1x16xf32> to vector<16xf32>
          %mul3A_109 = arith.constant 16 : i32
          %mul3A_110 = arith.muli %scan3A_89, %mul3A_109 : i32
          %add3A_111 = arith.constant 2 : i32
          %add3A_112 = arith.addi %mul3A_110, %add3A_111 : i32
          %get3A_113 = arith.constant 1 : i32
          %get3A_114 = arith.index_cast %get3A_113 : i32 to index
          %get3A_115 = arith.index_cast %add3A_112 : i32 to index
          %get3A_116 = arith.constant 0 : index
          %get3A_117 = tpu.vector_load %arg6[%get3A_114, %get3A_115, %get3A_116] {strides = array<i32>} : memref<2x768x16xf32, #tpu.memory_space<vmem>>, vector<1x1x16xf32>,
          %get3A_118 = vector.shape_cast %get3A_117 : vector<1x1x16xf32> to vector<16xf32>
          %mul3A_119 = arith.constant 16 : i32
          %mul3A_120 = arith.muli %scan3A_89, %mul3A_119 : i32
          %add3A_121 = arith.constant 3 : i32
          %add3A_122 = arith.addi %mul3A_120, %add3A_121 : i32
          %get3A_123 = arith.constant 1 : i32
          %get3A_124 = arith.index_cast %get3A_123 : i32 to index
          %get3A_125 = arith.index_cast %add3A_122 : i32 to index
          %get3A_126 = arith.constant 0 : index
          %get3A_127 = tpu.vector_load %arg6[%get3A_124, %get3A_125, %get3A_126] {strides = array<i32>} : memref<2x768x16xf32, #tpu.memory_space<vmem>>, vector<1x1x16xf32>,
          %get3A_128 = vector.shape_cast %get3A_127 : vector<1x1x16xf32> to vector<16xf32>
          %mul3A_129 = arith.constant 16 : i32
          %mul3A_130 = arith.muli %scan3A_89, %mul3A_129 : i32
          %add3A_131 = arith.constant 4 : i32
          %add3A_132 = arith.addi %mul3A_130, %add3A_131 : i32
          %get3A_133 = arith.constant 1 : i32
          %get3A_134 = arith.index_cast %get3A_133 : i32 to index
          %get3A_135 = arith.index_cast %add3A_132 : i32 to index
          %get3A_136 = arith.constant 0 : index
          %get3A_137 = tpu.vector_load %arg6[%get3A_134, %get3A_135, %get3A_136] {strides = array<i32>} : memref<2x768x16xf32, #tpu.memory_space<vmem>>, vector<1x1x16xf32>,
          %get3A_138 = vector.shape_cast %get3A_137 : vector<1x1x16xf32> to vector<16xf32>
          %mul3A_139 = arith.constant 16 : i32
          %mul3A_140 = arith.muli %scan3A_89, %mul3A_139 : i32
          %add3A_141 = arith.constant 5 : i32
          %add3A_142 = arith.addi %mul3A_140, %add3A_141 : i32
          %get3A_143 = arith.constant 1 : i32
          %get3A_144 = arith.index_cast %get3A_143 : i32 to index
          %get3A_145 = arith.index_cast %add3A_142 : i32 to index
          %get3A_146 = arith.constant 0 : index
          %get3A_147 = tpu.vector_load %arg6[%get3A_144, %get3A_145, %get3A_146] {strides = array<i32>} : memref<2x768x16xf32, #tpu.memory_space<vmem>>, vector<1x1x16xf32>,
          %get3A_148 = vector.shape_cast %get3A_147 : vector<1x1x16xf32> to vector<16xf32>
          %mul3A_149 = arith.constant 16 : i32
          %mul3A_150 = arith.muli %scan3A_89, %mul3A_149 : i32
          %add3A_151 = arith.constant 6 : i32
          %add3A_152 = arith.addi %mul3A_150, %add3A_151 : i32
          %get3A_153 = arith.constant 1 : i32
          %get3A_154 = arith.index_cast %get3A_153 : i32 to index
          %get3A_155 = arith.index_cast %add3A_152 : i32 to index
          %get3A_156 = arith.constant 0 : index
          %get3A_157 = tpu.vector_load %arg6[%get3A_154, %get3A_155, %get3A_156] {strides = array<i32>} : memref<2x768x16xf32, #tpu.memory_space<vmem>>, vector<1x1x16xf32>,
          %get3A_158 = vector.shape_cast %get3A_157 : vector<1x1x16xf32> to vector<16xf32>
          %mul3A_159 = arith.constant 16 : i32
          %mul3A_160 = arith.muli %scan3A_89, %mul3A_159 : i32
          %add3A_161 = arith.constant 7 : i32
          %add3A_162 = arith.addi %mul3A_160, %add3A_161 : i32
          %get3A_163 = arith.constant 1 : i32
          %get3A_164 = arith.index_cast %get3A_163 : i32 to index
          %get3A_165 = arith.index_cast %add3A_162 : i32 to index
          %get3A_166 = arith.constant 0 : index
          %get3A_167 = tpu.vector_load %arg6[%get3A_164, %get3A_165, %get3A_166] {strides = array<i32>} : memref<2x768x16xf32, #tpu.memory_space<vmem>>, vector<1x1x16xf32>,
          %get3A_168 = vector.shape_cast %get3A_167 : vector<1x1x16xf32> to vector<16xf32>
          %mul3A_169 = arith.constant 16 : i32
          %mul3A_170 = arith.muli %scan3A_89, %mul3A_169 : i32
          %add3A_171 = arith.constant 8 : i32
          %add3A_172 = arith.addi %mul3A_170, %add3A_171 : i32
          %get3A_173 = arith.constant 1 : i32
          %get3A_174 = arith.index_cast %get3A_173 : i32 to index
          %get3A_175 = arith.index_cast %add3A_172 : i32 to index
          %get3A_176 = arith.constant 0 : index
          %get3A_177 = tpu.vector_load %arg6[%get3A_174, %get3A_175, %get3A_176] {strides = array<i32>} : memref<2x768x16xf32, #tpu.memory_space<vmem>>, vector<1x1x16xf32>,
          %get3A_178 = vector.shape_cast %get3A_177 : vector<1x1x16xf32> to vector<16xf32>
          %mul3A_179 = arith.constant 16 : i32
          %mul3A_180 = arith.muli %scan3A_89, %mul3A_179 : i32
          %add3A_181 = arith.constant 9 : i32
          %add3A_182 = arith.addi %mul3A_180, %add3A_181 : i32
          %get3A_183 = arith.constant 1 : i32
          %get3A_184 = arith.index_cast %get3A_183 : i32 to index
          %get3A_185 = arith.index_cast %add3A_182 : i32 to index
          %get3A_186 = arith.constant 0 : index
          %get3A_187 = tpu.vector_load %arg6[%get3A_184, %get3A_185, %get3A_186] {strides = array<i32>} : memref<2x768x16xf32, #tpu.memory_space<vmem>>, vector<1x1x16xf32>,
          %get3A_188 = vector.shape_cast %get3A_187 : vector<1x1x16xf32> to vector<16xf32>
          %mul3A_189 = arith.constant 16 : i32
          %mul3A_190 = arith.muli %scan3A_89, %mul3A_189 : i32
          %add3A_191 = arith.constant 10 : i32
          %add3A_192 = arith.addi %mul3A_190, %add3A_191 : i32
          %get3A_193 = arith.constant 1 : i32
          %get3A_194 = arith.index_cast %get3A_193 : i32 to index
          %get3A_195 = arith.index_cast %add3A_192 : i32 to index
          %get3A_196 = arith.constant 0 : index
          %get3A_197 = tpu.vector_load %arg6[%get3A_194, %get3A_195, %get3A_196] {strides = array<i32>} : memref<2x768x16xf32, #tpu.memory_space<vmem>>, vector<1x1x16xf32>,
          %get3A_198 = vector.shape_cast %get3A_197 : vector<1x1x16xf32> to vector<16xf32>
          %mul3A_199 = arith.constant 16 : i32
          %mul3A_200 = arith.muli %scan3A_89, %mul3A_199 : i32
          %add3A_201 = arith.constant 11 : i32
          %add3A_202 = arith.addi %mul3A_200, %add3A_201 : i32
          %get3A_203 = arith.constant 1 : i32
          %get3A_204 = arith.index_cast %get3A_203 : i32 to index
          %get3A_205 = arith.index_cast %add3A_202 : i32 to index
          %get3A_206 = arith.constant 0 : index
          %get3A_207 = tpu.vector_load %arg6[%get3A_204, %get3A_205, %get3A_206] {strides = array<i32>} : memref<2x768x16xf32, #tpu.memory_space<vmem>>, vector<1x1x16xf32>,
          %get3A_208 = vector.shape_cast %get3A_207 : vector<1x1x16xf32> to vector<16xf32>
          %mul3A_209 = arith.constant 16 : i32
          %mul3A_210 = arith.muli %scan3A_89, %mul3A_209 : i32
          %add3A_211 = arith.constant 12 : i32
          %add3A_212 = arith.addi %mul3A_210, %add3A_211 : i32
          %get3A_213 = arith.constant 1 : i32
          %get3A_214 = arith.index_cast %get3A_213 : i32 to index
          %get3A_215 = arith.index_cast %add3A_212 : i32 to index
          %get3A_216 = arith.constant 0 : index
          %get3A_217 = tpu.vector_load %arg6[%get3A_214, %get3A_215, %get3A_216] {strides = array<i32>} : memref<2x768x16xf32, #tpu.memory_space<vmem>>, vector<1x1x16xf32>,
          %get3A_218 = vector.shape_cast %get3A_217 : vector<1x1x16xf32> to vector<16xf32>
          %mul3A_219 = arith.constant 16 : i32
          %mul3A_220 = arith.muli %scan3A_89, %mul3A_219 : i32
          %add3A_221 = arith.constant 13 : i32
          %add3A_222 = arith.addi %mul3A_220, %add3A_221 : i32
          %get3A_223 = arith.constant 1 : i32
          %get3A_224 = arith.index_cast %get3A_223 : i32 to index
          %get3A_225 = arith.index_cast %add3A_222 : i32 to index
          %get3A_226 = arith.constant 0 : index
          %get3A_227 = tpu.vector_load %arg6[%get3A_224, %get3A_225, %get3A_226] {strides = array<i32>} : memref<2x768x16xf32, #tpu.memory_space<vmem>>, vector<1x1x16xf32>,
          %get3A_228 = vector.shape_cast %get3A_227 : vector<1x1x16xf32> to vector<16xf32>
          %mul3A_229 = arith.constant 16 : i32
          %mul3A_230 = arith.muli %scan3A_89, %mul3A_229 : i32
          %add3A_231 = arith.constant 14 : i32
          %add3A_232 = arith.addi %mul3A_230, %add3A_231 : i32
          %get3A_233 = arith.constant 1 : i32
          %get3A_234 = arith.index_cast %get3A_233 : i32 to index
          %get3A_235 = arith.index_cast %add3A_232 : i32 to index
          %get3A_236 = arith.constant 0 : index
          %get3A_237 = tpu.vector_load %arg6[%get3A_234, %get3A_235, %get3A_236] {strides = array<i32>} : memref<2x768x16xf32, #tpu.memory_space<vmem>>, vector<1x1x16xf32>,
          %get3A_238 = vector.shape_cast %get3A_237 : vector<1x1x16xf32> to vector<16xf32>
          %mul3A_239 = arith.constant 16 : i32
          %mul3A_240 = arith.muli %scan3A_89, %mul3A_239 : i32
          %add3A_241 = arith.constant 15 : i32
          %add3A_242 = arith.addi %mul3A_240, %add3A_241 : i32
          %get3A_243 = arith.constant 1 : i32
          %get3A_244 = arith.index_cast %get3A_243 : i32 to index
          %get3A_245 = arith.index_cast %add3A_242 : i32 to index
          %get3A_246 = arith.constant 0 : index
          %get3A_247 = tpu.vector_load %arg6[%get3A_244, %get3A_245, %get3A_246] {strides = array<i32>} : memref<2x768x16xf32, #tpu.memory_space<vmem>>, vector<1x1x16xf32>,
          %get3A_248 = vector.shape_cast %get3A_247 : vector<1x1x16xf32> to vector<16xf32>
          %add3A_249 = arith.addf %get3A_98, %get3A_108 : vector<16xf32>
          %add3A_250 = arith.addf %get3A_118, %get3A_128 : vector<16xf32>
          %add3A_251 = arith.addf %get3A_138, %get3A_148 : vector<16xf32>
          %add3A_252 = arith.addf %get3A_158, %get3A_168 : vector<16xf32>
          %add3A_253 = arith.addf %get3A_178, %get3A_188 : vector<16xf32>
          %add3A_254 = arith.addf %get3A_198, %get3A_208 : vector<16xf32>
          %add3A_255 = arith.addf %get3A_218, %get3A_228 : vector<16xf32>
          %add3A_256 = arith.addf %get3A_238, %get3A_248 : vector<16xf32>
          %add3A_257 = arith.addf %add3A_249, %add3A_250 : vector<16xf32>
          %add3A_258 = arith.addf %add3A_251, %add3A_252 : vector<16xf32>
          %add3A_259 = arith.addf %add3A_253, %add3A_254 : vector<16xf32>
          %add3A_260 = arith.addf %add3A_255, %add3A_256 : vector<16xf32>
          %add3A_261 = arith.addf %add3A_257, %add3A_258 : vector<16xf32>
          %add3A_262 = arith.addf %add3A_259, %add3A_260 : vector<16xf32>
          %add3A_263 = arith.addf %add3A_261, %add3A_262 : vector<16xf32>
          %mul3A_264 = arith.constant 48 : i32
          %mul3A_265 = arith.muli %add3A_60, %mul3A_264 : i32
          %add3A_266 = arith.addi %mul3A_265, %scan3A_89 : i32
          %swap3A = arith.index_cast %add3A_266 : i32 to index
          %swap3A_267 = arith.constant 0 : index
          %swap3A_268 = tpu.vector_load %run_scoped3A[%swap3A, %swap3A_267] {strides = array<i32>} : memref<3168x16xf32, #tpu.memory_space<vmem>>, vector<1x16xf32>,
          %swap3A_269 = vector.shape_cast %swap3A_268 : vector<1x16xf32> to vector<16xf32>
          %swap3A_270 = vector.shape_cast %add3A_263 : vector<16xf32> to vector<1x16xf32>
          tpu.vector_store %run_scoped3A[%swap3A, %swap3A_267], %swap3A_270 {strides = array<i32>} : memref<3168x16xf32, #tpu.memory_space<vmem>>, vector<1x16xf32>,
        }
        %scan3A_81 = arith.constant 48 : i32
        %add3A_82 = arith.constant 2 : i32
        %add3A_83 = arith.addi %add3A_60, %add3A_82 : i32
        %lt3A_84 = arith.constant 66 : i32
        %lt3A_85 = arith.cmpi slt, %add3A_83, %lt3A_84 : i32
        %convert_element_type3A_86 = arith.extui %lt3A_85 : i1 to i32
        %cond3A_87 = arith.constant 0 : i32
        %cond3A_88 = arith.cmpi ne, %convert_element_type3A_86, %cond3A_87 : i32
        scf.if %cond3A_88 {
          %add3A_89 = arith.constant 2 : i32
          %add3A_90 = arith.addi %add3A_60, %add3A_89 : i32
          %mul3A_91 = arith.constant 768 : i32
          %mul3A_92 = arith.muli %add3A_90, %mul3A_91 : i32
          %dma_start3A_93 = arith.constant 1 : i32
          %dma_start3A_94 = arith.constant 0 : i32
          %dma_start3A_95 = arith.constant 0 : i32
          %dma_start3A_96 = tpu.memref_slice %arg6[%dma_start3A_93, %dma_start3A_94, %dma_start3A_95] : memref<2x768x16xf32, #tpu.memory_space<vmem>> -> memref<1x768x16xf32, #tpu.memory_space<vmem>>
          %dma_start3A_97 = tpu.memref_squeeze %dma_start3A_96 : memref<1x768x16xf32, #tpu.memory_space<vmem>> -> memref<768x16xf32, #tpu.memory_space<vmem>>
          %dma_start3A_98 = tpu.memref_slice %arg5[%mul3A_92] : memref<50688xi32, #tpu.memory_space<vmem>> -> memref<768xi32, #tpu.memory_space<vmem>>
          %dma_start3A_99 = arith.constant 0 : i32
          %dma_start3A_100 = arith.constant 0 : i32
          %dma_start3A_101 = tpu.memref_slice %arg2[%dma_start3A_99, %dma_start3A_100] : memref<100000x16xf32, #tpu.memory_space<hbm>> -> memref<100000x16xf32, #tpu.memory_space<hbm>>
          tpu.enqueue_indirect_dma source(%dma_start3A_101 : memref<100000x16xf32, #tpu.memory_space<hbm>>) target(%dma_start3A_97 : memref<768x16xf32, #tpu.memory_space<vmem>>) offsets(%dma_start3A_98 : memref<768xi32, #tpu.memory_space<vmem>>) semaphore(%arg8 : memref<!tpu.dma_semaphore, #tpu.memory_space<semaphore_mem>>)
        } else {
        }
      }
      %scan3A_27 = arith.constant 33 : i32
      "tpu.region"() ({
        %run_scoped3A_28 = tpu.sem_alloc : memref<!tpu.dma_semaphore, #tpu.memory_space<semaphore_mem>>
        %dma_start3A_29 = arith.constant 0 : i32
        %dma_start3A_30 = tpu.memref_slice %arg4[%min3A_3, %dma_start3A_29] : memref<100000x16xf32, #tpu.memory_space<hbm>> -> memref<3168x16xf32, #tpu.memory_space<hbm>>
        %dma_start3A_31 = arith.constant 0 : i32
        %dma_start3A_32 = tpu.memref_slice %arg4[%min3A_3, %dma_start3A_31] : memref<100000x16xf32, #tpu.memory_space<hbm>> -> memref<3168x16xf32, #tpu.memory_space<hbm>>
        tpu.enqueue_dma source(%run_scoped3A : memref<3168x16xf32, #tpu.memory_space<vmem>>) target(%dma_start3A_32 : memref<3168x16xf32, #tpu.memory_space<hbm>>) target_semaphore(%run_scoped3A_28 : memref<!tpu.dma_semaphore, #tpu.memory_space<semaphore_mem>>)
        %dma_wait3A = arith.constant 0 : i32
        %dma_wait3A_33 = tpu.memref_slice %arg4[%min3A_3, %dma_wait3A] : memref<100000x16xf32, #tpu.memory_space<hbm>> -> memref<3168x16xf32, #tpu.memory_space<hbm>>
        %dma_wait3A_34 = arith.constant 0 : i32
        %dma_wait3A_35 = tpu.memref_slice %arg4[%min3A_3, %dma_wait3A_34] : memref<100000x16xf32, #tpu.memory_space<hbm>> -> memref<3168x16xf32, #tpu.memory_space<hbm>>
        tpu.wait_dma2 semaphore(%run_scoped3A_28 : memref<!tpu.dma_semaphore, #tpu.memory_space<semaphore_mem>>) src(%run_scoped3A : memref<3168x16xf32, #tpu.memory_space<vmem>>) dst(%dma_wait3A_35 : memref<3168x16xf32, #tpu.memory_space<hbm>>)
        tpu.yield
      }) : () -> ()
      tpu.yield
    }) : () -> ()
    return
  }
}

module attributes {stable_mosaic.version = 14 : i64} {
  func.func @_encode_body(%arg0: i32, %arg1: memref<2000x128xf32, #tpu.memory_space<vmem>>, %arg2: memref<2000x256xf32, #tpu.memory_space<vmem>>, %arg3: memref<128x32xf32, #tpu.memory_space<vmem>>, %arg4: memref<1x32xf32, #tpu.memory_space<vmem>>, %arg5: memref<256x16xf32, #tpu.memory_space<vmem>>, %arg6: memref<1x16xf32, #tpu.memory_space<vmem>>, %arg7: memref<32x16xf32, #tpu.memory_space<vmem>>, %arg8: memref<16x16xf32, #tpu.memory_space<vmem>>, %arg9: memref<1x16xf32, #tpu.memory_space<vmem>>, %arg10: memref<2000x16xf32, #tpu.memory_space<vmem>>) attributes {dimension_semantics = [#tpu.dimension_semantics<arbitrary>], iteration_bounds = array<i64: 50>, scalar_prefetch = 0 : i64, scratch_operands = 0 : i64, tpu.core_type = #tpu.core_type<tc>, window_params = [{transform_indices = @transform_0, window_bounds = array<i64: 2000, 128>}, {transform_indices = @transform_1, window_bounds = array<i64: 2000, 256>}, {pipeline_mode = #tpu.pipeline_mode<synchronous>, transform_indices = @transform_2, window_bounds = array<i64: 128, 32>}, {pipeline_mode = #tpu.pipeline_mode<synchronous>, transform_indices = @transform_3, window_bounds = array<i64: 1, 32>}, {pipeline_mode = #tpu.pipeline_mode<synchronous>, transform_indices = @transform_4, window_bounds = array<i64: 256, 16>}, {pipeline_mode = #tpu.pipeline_mode<synchronous>, transform_indices = @transform_5, window_bounds = array<i64: 1, 16>}, {pipeline_mode = #tpu.pipeline_mode<synchronous>, transform_indices = @transform_6, window_bounds = array<i64: 32, 16>}, {pipeline_mode = #tpu.pipeline_mode<synchronous>, transform_indices = @transform_7, window_bounds = array<i64: 16, 16>}, {pipeline_mode = #tpu.pipeline_mode<synchronous>, transform_indices = @transform_8, window_bounds = array<i64: 1, 16>}, {transform_indices = @transform_9, window_bounds = array<i64: 2000, 16>}]} {
    %get3A = arith.constant 0 : index
    %get3A_0 = arith.constant 0 : index
    %get3A_1 = vector.load %arg1[%get3A, %get3A_0] : memref<2000x128xf32, #tpu.memory_space<vmem>>, vector<2000x128xf32>
    %get3A_2 = arith.constant 0 : index
    %get3A_3 = arith.constant 0 : index
    %get3A_4 = vector.load %arg3[%get3A_2, %get3A_3] : memref<128x32xf32, #tpu.memory_space<vmem>>, vector<128x32xf32>
    %dot_general3A = arith.constant dense<0.000000e+00> : vector<2000x32xf32>
    %dot_general3A_5 = tpu.matmul %get3A_1, %get3A_4, %dot_general3A {dimension_numbers = #tpu.dot_dimension_numbers<[1], [0], [0], [1], [0, 0, 1, 1], [], []>, transpose_lhs_hint = false} : vector<2000x128xf32>, vector<128x32xf32>, vector<2000x32xf32> -> vector<2000x32xf32>
    %get3A_6 = arith.constant 0 : index
    %get3A_7 = arith.constant 0 : index
    %get3A_8 = vector.load %arg4[%get3A_6, %get3A_7] : memref<1x32xf32, #tpu.memory_space<vmem>>, vector<1x32xf32>
    %add3A = vector.broadcast %get3A_8 : vector<1x32xf32> to vector<2000x32xf32>
    %add3A_9 = arith.addf %dot_general3A_5, %add3A : vector<2000x32xf32>
    %max3A = arith.constant 0.000000e+00 : f32
    %max3A_10 = vector.broadcast %max3A : f32 to vector<2000x32xf32>
    %max3A_11 = arith.maximumf %add3A_9, %max3A_10 : vector<2000x32xf32>
    %get3A_12 = arith.constant 0 : index
    %get3A_13 = arith.constant 0 : index
    %get3A_14 = vector.load %arg2[%get3A_12, %get3A_13] : memref<2000x256xf32, #tpu.memory_space<vmem>>, vector<2000x256xf32>
    %get3A_15 = arith.constant 0 : index
    %get3A_16 = arith.constant 0 : index
    %get3A_17 = vector.load %arg5[%get3A_15, %get3A_16] : memref<256x16xf32, #tpu.memory_space<vmem>>, vector<256x16xf32>
    %dot_general3A_18 = arith.constant dense<0.000000e+00> : vector<2000x16xf32>
    %dot_general3A_19 = tpu.matmul %get3A_14, %get3A_17, %dot_general3A_18 {dimension_numbers = #tpu.dot_dimension_numbers<[1], [0], [0], [1], [0, 0, 1, 1], [], []>, transpose_lhs_hint = false} : vector<2000x256xf32>, vector<256x16xf32>, vector<2000x16xf32> -> vector<2000x16xf32>
    %get3A_20 = arith.constant 0 : index
    %get3A_21 = arith.constant 0 : index
    %get3A_22 = vector.load %arg6[%get3A_20, %get3A_21] : memref<1x16xf32, #tpu.memory_space<vmem>>, vector<1x16xf32>
    %add3A_23 = vector.broadcast %get3A_22 : vector<1x16xf32> to vector<2000x16xf32>
    %add3A_24 = arith.addf %dot_general3A_19, %add3A_23 : vector<2000x16xf32>
    %max3A_25 = arith.constant 0.000000e+00 : f32
    %max3A_26 = vector.broadcast %max3A_25 : f32 to vector<2000x16xf32>
    %max3A_27 = arith.maximumf %add3A_24, %max3A_26 : vector<2000x16xf32>
    %get3A_28 = arith.constant 0 : index
    %get3A_29 = arith.constant 0 : index
    %get3A_30 = vector.load %arg7[%get3A_28, %get3A_29] : memref<32x16xf32, #tpu.memory_space<vmem>>, vector<32x16xf32>
    %dot_general3A_31 = arith.constant dense<0.000000e+00> : vector<2000x16xf32>
    %dot_general3A_32 = tpu.matmul %max3A_11, %get3A_30, %dot_general3A_31 {dimension_numbers = #tpu.dot_dimension_numbers<[1], [0], [0], [1], [0, 0, 1, 1], [], []>, transpose_lhs_hint = false} : vector<2000x32xf32>, vector<32x16xf32>, vector<2000x16xf32> -> vector<2000x16xf32>
    %get3A_33 = arith.constant 0 : index
    %get3A_34 = arith.constant 0 : index
    %get3A_35 = vector.load %arg8[%get3A_33, %get3A_34] : memref<16x16xf32, #tpu.memory_space<vmem>>, vector<16x16xf32>
    %dot_general3A_36 = arith.constant dense<0.000000e+00> : vector<2000x16xf32>
    %dot_general3A_37 = tpu.matmul %max3A_27, %get3A_35, %dot_general3A_36 {dimension_numbers = #tpu.dot_dimension_numbers<[1], [0], [0], [1], [0, 0, 1, 1], [], []>, transpose_lhs_hint = false} : vector<2000x16xf32>, vector<16x16xf32>, vector<2000x16xf32> -> vector<2000x16xf32>
    %add3A_38 = arith.addf %dot_general3A_32, %dot_general3A_37 : vector<2000x16xf32>
    %get3A_39 = arith.constant 0 : index
    %get3A_40 = arith.constant 0 : index
    %get3A_41 = vector.load %arg9[%get3A_39, %get3A_40] : memref<1x16xf32, #tpu.memory_space<vmem>>, vector<1x16xf32>
    %add3A_42 = vector.broadcast %get3A_41 : vector<1x16xf32> to vector<2000x16xf32>
    %add3A_43 = arith.addf %add3A_38, %add3A_42 : vector<2000x16xf32>
    %swap3A = arith.constant 0 : index
    %swap3A_44 = arith.constant 0 : index
    %swap3A_45 = vector.load %arg10[%swap3A, %swap3A_44] : memref<2000x16xf32, #tpu.memory_space<vmem>>, vector<2000x16xf32>
    tpu.vector_store %arg10[%swap3A, %swap3A_44], %add3A_43 {strides = array<i32>} : memref<2000x16xf32, #tpu.memory_space<vmem>>, vector<2000x16xf32>,
    return
  }
  func.func @transform_0(%arg0: i32) -> (i32, i32) {
    %c0_i32 = arith.constant 0 : i32
    %c0_i32_0 = arith.constant 0 : i32
    return %arg0, %c0_i32 : i32, i32
  }
  func.func @transform_1(%arg0: i32) -> (i32, i32) {
    %c0_i32 = arith.constant 0 : i32
    %c0_i32_0 = arith.constant 0 : i32
    return %arg0, %c0_i32 : i32, i32
  }
  func.func @transform_2(%arg0: i32) -> (i32, i32) {
    %c0_i32 = arith.constant 0 : i32
    %c0_i32_0 = arith.constant 0 : i32
    %c0_i32_1 = arith.constant 0 : i32
    return %c0_i32, %c0_i32_0 : i32, i32
  }
  func.func @transform_3(%arg0: i32) -> (i32, i32) {
    %c0_i32 = arith.constant 0 : i32
    %c0_i32_0 = arith.constant 0 : i32
    %c0_i32_1 = arith.constant 0 : i32
    return %c0_i32, %c0_i32_0 : i32, i32
  }
  func.func @transform_4(%arg0: i32) -> (i32, i32) {
    %c0_i32 = arith.constant 0 : i32
    %c0_i32_0 = arith.constant 0 : i32
    %c0_i32_1 = arith.constant 0 : i32
    return %c0_i32, %c0_i32_0 : i32, i32
  }
  func.func @transform_5(%arg0: i32) -> (i32, i32) {
    %c0_i32 = arith.constant 0 : i32
    %c0_i32_0 = arith.constant 0 : i32
    %c0_i32_1 = arith.constant 0 : i32
    return %c0_i32, %c0_i32_0 : i32, i32
  }
  func.func @transform_6(%arg0: i32) -> (i32, i32) {
    %c0_i32 = arith.constant 0 : i32
    %c0_i32_0 = arith.constant 0 : i32
    %c0_i32_1 = arith.constant 0 : i32
    return %c0_i32, %c0_i32_0 : i32, i32
  }
  func.func @transform_7(%arg0: i32) -> (i32, i32) {
    %c0_i32 = arith.constant 0 : i32
    %c0_i32_0 = arith.constant 0 : i32
    %c0_i32_1 = arith.constant 0 : i32
    return %c0_i32, %c0_i32_0 : i32, i32
  }
  func.func @transform_8(%arg0: i32) -> (i32, i32) {
    %c0_i32 = arith.constant 0 : i32
    %c0_i32_0 = arith.constant 0 : i32
    %c0_i32_1 = arith.constant 0 : i32
    return %c0_i32, %c0_i32_0 : i32, i32
  }
  func.func @transform_9(%arg0: i32) -> (i32, i32) {
    %c0_i32 = arith.constant 0 : i32
    %c0_i32_0 = arith.constant 0 : i32
    return %arg0, %c0_i32 : i32, i32
  }
}

module attributes {stable_mosaic.version = 14 : i64} {
  func.func @_log_softmax_body(%arg0: i32, %arg1: memref<2000x16xf32, #tpu.memory_space<vmem>>, %arg2: memref<2000x10xf32, #tpu.memory_space<vmem>>) attributes {dimension_semantics = [#tpu.dimension_semantics<arbitrary>], iteration_bounds = array<i64: 50>, scalar_prefetch = 0 : i64, scratch_operands = 0 : i64, tpu.core_type = #tpu.core_type<tc>, window_params = [{transform_indices = @transform_0, window_bounds = array<i64: 2000, 16>}, {transform_indices = @transform_1, window_bounds = array<i64: 2000, 10>}]} {
    %get3A = arith.constant 0 : index
    %get3A_0 = arith.constant 0 : index
    %get3A_1 = vector.load %arg1[%get3A, %get3A_0] : memref<2000x16xf32, #tpu.memory_space<vmem>>, vector<2000x16xf32>
    %iota3A = tpu.iota {dimensions = array<i32: 1>} : vector<2000x16xi32>
    %lt3A = arith.constant 10 : i32
    %lt3A_2 = vector.broadcast %lt3A : i32 to vector<2000x16xi32>
    %lt3A_3 = arith.cmpi slt, %iota3A, %lt3A_2 : vector<2000x16xi32>
    %jit3A = arith.constant 0xFF800000 : f32
    %broadcast_in_dim3A = vector.broadcast %jit3A : f32 to vector<2000x16xf32>
    %select_n3A = arith.select %lt3A_3, %get3A_1, %broadcast_in_dim3A : vector<2000x16xi1>, vector<2000x16xf32>
    %reduce_max3A = arith.constant dense<0xFF800000> : vector<2000xf32>
    %reduce_max3A_4 = vector.multi_reduction <maximumf>, %select_n3A, %reduce_max3A [1] : vector<2000x16xf32> to vector<2000xf32>
    %broadcast_in_dim3A_5 = vector.shape_cast %reduce_max3A_4 : vector<2000xf32> to vector<2000x1xf32>
    %sub3A = vector.broadcast %broadcast_in_dim3A_5 : vector<2000x1xf32> to vector<2000x16xf32>
    %sub3A_6 = arith.subf %get3A_1, %sub3A : vector<2000x16xf32>
    %exp3A = math.exp %sub3A_6 : vector<2000x16xf32>
    %jit3A_7 = arith.constant 0.000000e+00 : f32
    %broadcast_in_dim3A_8 = vector.broadcast %jit3A_7 : f32 to vector<2000x16xf32>
    %select_n3A_9 = arith.select %lt3A_3, %exp3A, %broadcast_in_dim3A_8 : vector<2000x16xi1>, vector<2000x16xf32>
    %reduce_sum3A = arith.constant dense<0.000000e+00> : vector<2000xf32>
    %reduce_sum3A_10 = vector.multi_reduction <add>, %select_n3A_9, %reduce_sum3A [1] : vector<2000x16xf32> to vector<2000xf32>
    %broadcast_in_dim3A_11 = vector.shape_cast %reduce_sum3A_10 : vector<2000xf32> to vector<2000x1xf32>
    %log3A = math.log %broadcast_in_dim3A_11 : vector<2000x1xf32>
    %sub3A_12 = vector.broadcast %broadcast_in_dim3A_5 : vector<2000x1xf32> to vector<2000x16xf32>
    %sub3A_13 = arith.subf %get3A_1, %sub3A_12 : vector<2000x16xf32>
    %sub3A_14 = vector.broadcast %log3A : vector<2000x1xf32> to vector<2000x16xf32>
    %sub3A_15 = arith.subf %sub3A_13, %sub3A_14 : vector<2000x16xf32>
    %slice3A = vector.extract_strided_slice %sub3A_15 {offsets = [0, 0], sizes = [2000, 10], strides = [1, 1]} : vector<2000x16xf32> to vector<2000x10xf32>
    %swap3A = arith.constant 0 : index
    %swap3A_16 = arith.constant 0 : index
    %swap3A_17 = vector.load %arg2[%swap3A, %swap3A_16] : memref<2000x10xf32, #tpu.memory_space<vmem>>, vector<2000x10xf32>
    tpu.vector_store %arg2[%swap3A, %swap3A_16], %slice3A {strides = array<i32>} : memref<2000x10xf32, #tpu.memory_space<vmem>>, vector<2000x10xf32>,
    return
  }
  func.func @transform_0(%arg0: i32) -> (i32, i32) {
    %c0_i32 = arith.constant 0 : i32
    %c0_i32_0 = arith.constant 0 : i32
    return %arg0, %c0_i32 : i32, i32
  }
  func.func @transform_1(%arg0: i32) -> (i32, i32) {
    %c0_i32 = arith.constant 0 : i32
    %c0_i32_0 = arith.constant 0 : i32
    return %arg0, %c0_i32 : i32, i32
  }
}

</mosaic_0001>

<sc_bundles>
// kernel: kernel.5.cloned.1.call-start
scs
__scs_entry_jumppad:
0x0: {  	(pc) =	sbr.rel $0x88, $3  }
0x1: {  	(tag) =	ssettag $0x0;
	lr =	simm.s32 $0x1  }
0x2: {  	[smem:$0x3F98] =	sst lr;
	_ =	strace $0xD0000000  }
0x3: {  	_ = 	snop  }
0x4: {  	_ = 	snop  }
0x5: {  	_ = 	snop  }
0x6: {  	_ = 	snop  }
0x7: {  	_ = 	snop  }
__scs_overlays_trampoline_lowered:
0x8: {  	[smem:$0x3FA7] =	sst s0  }
0x9: {  	[smem:$0x3FA8] =	sst s1  }
0xa: {  	[smem:$0x3FA9] =	sst s2  }
0xb: {  	[smem:$0x3FAA] =	sst s3  }
0xc: {  	[smem:$0x3FAB] =	sst s4  }
0xd: {  	[smem:$0x3FAC] =	sst s5  }
0xe: {  	[smem:$0x3FAD] =	sst s6  }
0xf: {  	[smem:$0x3FAE] =	sst s7  }
0x10: {  	[smem:$0x3FAF] =	sst s8  }
0x11: {  	[smem:$0x3FB0] =	sst s9;
	s0 =	simm.s32 @!p0 $0x0  }
0x12: {  	s1 =	sld [smem:$0x3F96];
	s0 =	simm.s32 @p0 $0x1  }
0x13: {  	[smem:$0x3FB1] =	sst s0;
	s0 =	simm.s32 @!p1 $0x0  }
0x14: {  	s2 =	sld [smem:$0x3F95];
	s0 =	simm.s32 @p1 $0x1  }
0x15: {  	[smem:$0x3FB2] =	sst s0;
	s0 =	simm.s32 @!p2 $0x0  }
0x16: {  	s3 =	sld [smem:$0x3FDB];
	s0 =	simm.s32 @p2 $0x1  }
0x17: {  	s4 =	simm.s32 $0x1BF5;
	[smem:$0x3FB4] =	sst s0  }
0x18: {  	s0 =	sld [smem:$0x3F97];
	_ =	swait.ge [sflag:s4], $0x0  }
0x19: {  	s7 =	sld [smem:$0x3F98]  }
0x1a: {  	s8 =	sadd.s32 $0xFFFFE003, lr  }
0x1b: {  	s9 =	sadd.s32 $0xFFFFFEF7, lr;
	s5 =	simm.s32 $0xFFFFFFFF;
	p2 =	slt.u32 s8, $0xFFFFF086  }
0x1c: {  	p1 =	slt.u32 s9, $0xF7A;
	s5 =	simm.s32 @!p2 $0x0  }
0x1d: {  	s5 =	simm.s32 @p1 $0x1;
	p0 =	seq.s32 s7, s2  }
0x1e: {  	s7 =	smul.u32 @!p0 $0xF7A, s2;
	p2 =	seq.s32 @!p0 s5, $0x0  }
0x1f: {  	s9 =	smul.u32 $0xF7A, s1;
	s8 =	simm.s32 @!p0 $0x1BF5;
	p2 =	por !p2, p0  }
0x20: {  	[sflag:s8] =	ssyncset.s32 @!p0 $0xFFFFF086;
	s6 =	sadd.s32 @!p0 s3, s7;
	s7 =	simm.s32 @!p0 $0x108  }
0x21: {  	s3 =	sadd.s32 s3, s9;
	s6 =	sadd.s32 @!p0 $0x88, s6;
	s7 =	simm.s32 @p2 $0x1082  }
0x22: {  	[simem:s7], [sflag:s8] =	dma.local @!p0 [hbm:s6], $0xF7A  }
0x23: {  	s9 =	sor.u32 $0xD0000000, s2;
	s6 =	simm.s32 $0x108;
	_ =	swait.ge @!p0 [sflag:s8], $0x0  }
0x24: {  	s3 =	sadd.s32 $0x88, s3;
	s6 =	simm.s32 @!p1 $0x1082;
	[sflag:s4] =	ssyncset.s32 $0xFFFFF086  }
0x25: {  	[simem:s6], [sflag:s4] =	dma.local [hbm:s3], $0xF7A  }
0x26: {  	[smem:$0x3F98] =	sst s1;
	(tag) =	ssettag s2;
	_ =	strace s9  }
0x27: {  	s1 =	sld [smem:$0x3FA8]  }
0x28: {  	s2 =	sld [smem:$0x3FA9]  }
0x29: {  	s4 =	sld [smem:$0x3FAB]  }
0x2a: {  	p0 =	seq.s32 s5, $0x0;
	s5 =	sld [smem:$0x3FAC]  }
0x2b: {  	s6 =	sld [smem:$0x3FAD]  }
0x2c: {  	s7 =	sld [smem:$0x3FAE]  }
0x2d: {  	s3 =	simm.s32 $0x108;
	s8 =	sld [smem:$0x3FAF]  }
0x2e: {  	s3 =	simm.s32 @!p0 $0x1082;
	s9 =	sld [smem:$0x3FB0]  }
0x2f: {  	lr =	sadd.s32 s0, s3;
	s0 =	sld [smem:$0x3FA7]  }
0x30: {  	s3 =	sld [smem:$0x3FAA]  }
0x31: {  	[smem:$0x3FB3] =	sst s10  }
0x32: {  	s10 =	sld [smem:$0x3FB1];
	_ =	sdelay $0x3  }
0x33: {  	p0 =	seq.s32 s10, $0x1;
	s10 =	sld [smem:$0x3FB3];
	_ =	sdelay $0x3  }
0x34: {  	[smem:$0x3FB3] =	sst s10  }
0x35: {  	s10 =	sld [smem:$0x3FB2];
	_ =	sdelay $0x3  }
0x36: {  	p1 =	seq.s32 s10, $0x1;
	s10 =	sld [smem:$0x3FB3];
	_ =	sdelay $0x3  }
0x37: {  	[smem:$0x3FB3] =	sst s10  }
0x38: {  	s10 =	sld [smem:$0x3FB4]  }
0x39: {  	_ = 	snop;
	(pc) =	sbr.ind lr, $3  }
0x3a: {  	_ = 	snop  }
0x3b: {  	_ = 	snop  }
0x3c: {  	p2 =	seq.s32 s10, $0x1;
	s10 =	sld [smem:$0x3FB3]  }
0x3d: {  	_ =	shalt  }
0x3e: {  	_ =	shalt  }
0x3f: {  	_ =	shalt  }
0x40: {  	_ =	shalt  }
0x41: {  	_ =	shalt  }
0x42: {  	_ =	shalt  }
0x43: {  	_ =	shalt  }
0x44: {  	_ =	shalt  }
0x45: {  	_ =	shalt  }
0x46: {  	_ =	shalt  }
0x47: {  	_ =	shalt  }
0x48: {  	_ =	shalt  }
0x49: {  	_ =	shalt  }
0x4a: {  	_ =	shalt  }
0x4b: {  	_ =	shalt  }
0x4c: {  	_ =	shalt  }
0x4d: {  	_ =	shalt  }
0x4e: {  	_ =	shalt  }
0x4f: {  	_ =	shalt  }
0x50: {  	_ =	shalt  }
0x51: {  	_ =	shalt  }
0x52: {  	_ =	shalt  }
0x53: {  	_ =	shalt  }
0x54: {  	_ =	shalt  }
0x55: {  	_ =	shalt  }
0x56: {  	_ =	shalt  }
0x57: {  	_ =	shalt  }
0x58: {  	_ =	shalt  }
0x59: {  	_ =	shalt  }
0x5a: {  	_ =	shalt  }
0x5b: {  	_ =	shalt  }
0x5c: {  	_ =	shalt  }
0x5d: {  	_ =	shalt  }
0x5e: {  	_ =	shalt  }
0x5f: {  	_ =	shalt  }
0x60: {  	_ =	shalt  }
0x61: {  	_ =	shalt  }
0x62: {  	_ =	shalt  }
0x63: {  	_ =	shalt  }
0x64: {  	_ =	shalt  }
0x65: {  	_ =	shalt  }
0x66: {  	_ =	shalt  }
0x67: {  	_ =	shalt  }
0x68: {  	_ =	shalt  }
0x69: {  	_ =	shalt  }
0x6a: {  	_ =	shalt  }
0x6b: {  	_ =	shalt  }
0x6c: {  	_ =	shalt  }
0x6d: {  	_ =	shalt  }
0x6e: {  	_ =	shalt  }
0x6f: {  	_ =	shalt  }
0x70: {  	_ =	shalt  }
0x71: {  	_ =	shalt  }
0x72: {  	_ =	shalt  }
0x73: {  	_ =	shalt  }
0x74: {  	_ =	shalt  }
0x75: {  	_ =	shalt  }
0x76: {  	_ =	shalt  }
0x77: {  	_ =	shalt  }
0x78: {  	_ =	shalt  }
0x79: {  	_ =	shalt  }
0x7a: {  	_ =	shalt  }
0x7b: {  	_ =	shalt  }
0x7c: {  	_ =	shalt  }
0x7d: {  	_ =	shalt  }
0x7e: {  	_ =	shalt  }
0x7f: {  	_ =	shalt  }
0x80: {  	_ =	shalt  }
0x81: {  	_ =	shalt  }
0x82: {  	_ =	shalt  }
0x83: {  	_ =	shalt  }
0x84: {  	_ =	shalt  }
0x85: {  	_ =	shalt  }
0x86: {  	_ =	shalt  }
0x87: {  	_ =	shalt  }
.Lfunc_end0:
.L_simem_size_0:
called_computation_lowered:
.L_overlay_start_0:
0x88: {  	s2 =	sld [smem:$0x3FD9]  }
0x89: {  	s3 =	sld [smem:$0x3FFE];
	_ =	sdelay $0x1  }
0x8a: {  	s1 =	srdreg.scid  }
0x8b: {  	s0 =	sand.u32 $0x1, s1  }
0x8c: {  	s17 =	sshll.u32 s0, $0xA;
	s2 =	sadd.s32 s3, s2  }
0x8d: {  	s2 =	sadd.s32 s2, s17  }
0x8e: {  	[smem:$0x3FBF] =	sst s2  }
0x8f: {  	_ = 	snop  }
0x90: {  	s2 =	sld [smem:$0x3FD0];
	(tm) =	ssettm $0x1  }
0x91: {  	s18 =	sld [smem:$0x3FFB];
	_ =	sdelay $0x3  }
0x92: {  	_ =	strace s18  }
0x93: {  	s3 =	sld [smem:$0x3FFC];
	_ =	sdelay $0x3  }
0x94: {  	_ =	strace s3  }
0x95: {  	s3 =	sld [smem:$0x3FFD];
	_ =	sdelay $0x3  }
0x96: {  	_ =	strace s3  }
0x97: {  	_ =	strace $0x8FFFFFFF  }
0x98: {  	s19 =	sld [smem:$0x3FDB];
	_ =	sdelay $0x1  }
0x99: {  	s4 =	simm.s32 $_scs_section_size  }
0x9a: {  	s5 =	simm.s32 $_size__tile_overlayer_lowered;
	s6 =	simm.s32 $_tile_overlayer_lowered  }
0x9b: {  	s22 =	simm.s32 $0x1BFF;
	s21 =	sshll.u32 s6, $0x1;
	s3 =	sadd.s32 s4, s19  }
0x9c: {  	s7 =	simm.s32 $0x0;
	s20 =	sshll.u32 s5, $0x1;
	s5 =	sadd.s32 s21, s3  }
0x9d: {  	[timem:s7], [sflag:s22] =	dma.local [hbm:s5], s20  }
0x9e: {  	_ =	swait.ge [sflag:s22], s20  }
0x9f: {  	s4 =	ssub.s32 $0x0, s20;
	[sflag:s22] =	ssyncset.done $0x0  }
0xa0: {  	[sflag:s22] =	ssyncadd.s32 s4;
	_ =	sdelay $0x1  }
0xa1: {  	s23 =	simm.s32 $0x1B8B  }
0xa2: {  	_ =	swait.ge [sflag:s23], $0x1  }
0xa3: {  	[sflag:s23] =	ssyncset.done $0x0  }
0xa4: {  	s25 =	simm.s32 $0x1B8E;
	s24 =	sld [smem:$0x3FFE];
	[sflag:s23] =	ssyncadd.s32 $0xFFFFFFFF  }
0xa5: {  	s26 =	simm.s32 $execute0_lowered;
	[smem:$0x3FD2] =	sst s25  }
0xa6: {  	s5 =	sshll.u32 s26, $0x1;
	_ =	strace $0x80000046;
	[dreg:$0x1] =	wrdreg $0xFFFFFFFF  }
0xa7: {  	s28 =	simm.s32 $_size_execute0_lowered;
	s3 =	sadd.s32 s3, s5;
	[dreg:$0x0] =	wrdreg $0x0  }
0xa8: {  	s5 =	sshll.u32 s28, $0x1;
	[dreg:$0x2] =	wrdreg s3  }
0xa9: {  	[dreg:$0x3] =	wrdreg s5  }
0xaa: {  	[dreg:$0x4] =	wrdreg $0xC0  }
0xab: {  	_ =	task [dreg:s7], $0x5FFFF  }
0xac: {  	[dreg:$0x1] =	wrdreg $0xFFFFFFFF  }
0xad: {  	[dreg:$0x0] =	wrdreg $0x60  }
0xae: {  	[dreg:$0x2] =	wrdreg s2  }
0xaf: {  	[dreg:$0x3] =	wrdreg s24  }
0xb0: {  	[dreg:$0x4] =	wrdreg $0x9  }
0xb1: {  	_ =	task.clear_ibuf [dreg:s7], $0x5FFFF;
	_ =	strace $0x90000046  }
0xb2: {  	s29 =	simm.s32 $0x9;
	_ =	strace $0x80000048  }
0xb3: {  	_ =	swait.ge [sflag:s29], $0x1  }
0xb4: {  	[sflag:s29] =	ssyncadd.s32 $0xFFFFFFFF  }
0xb5: {  	_ =	strace $0x90000048  }
0xb6: {  	_ =	sfence  }
0xb7: {  	s30 =	sld [smem:$0x0];
	_ =	sdelay $0x2  }
0xb8: {  	s31 =	sshll.u32 s1, $0xD;
	s1 =	sshrl.u32 s1, $0x2  }
0xb9: {  	s3 =	sand.u32 $0x4000, s31;
	s1 =	sadd.s32 s1, s30  }
0xba: {  	s0 =	sor.u32 s3, s0;
	s1 =	sshll.u32 s1, $0x11  }
0xbb: {  	s0 =	sor.u32 s1, s0  }
0xbc: {  	s0 =	sadd.s32 $0x8F2B, s0  }
0xbd: {  	[sflag:s0] =	ssyncadd.remote.s32 $0x1  }
0xbe: {  	_ =	sfence.sel $0xFFFF  }
0xbf: {  	[dreg:$0x0] =	wrdreg $0xFFFFFFFF;
	(pc) =	sbr.abs _section_cstart, $3  }
0xc0: {  	[dreg:$0x1] =	wrdreg $0xFFFFFFFF  }
0xc1: {  	_ =	task.clear_ibuf [dreg:s7], $0x2FFFF;
	_ =	strace $0x9FFFFFFF  }
0xc2: {  	(tm) =	ssettm $0x7FFFFFFF  }
0xc3: {  	_ =	shalt  }
tec
execute0_lowered:
.L_overlay_start_1:
0x0: {  	(tag) =	ssettag $0x1  }
0x1: {  	s1 =	srdreg.scid  }
0x2: {  	s0 =	stileid.u32;
	s2 =	rddreg [dreg:$0x0]  }
0x3: {  	s6 =	rddreg [dreg:$0x1];
	s3 =	simm.s32 $0x0;
	s7 =	simm.s32 $0x12600  }
0x4: {  	s8 =	simm.s32 $0x3;
	s4 =	sand.u32 $0x1, s1;
	s30 =	sshll.u32 s0, $0x1  }
0x5: {  	s9 =	simm.s32 $0x300;
	s10 =	simm.s32 $0xC600;
	s1 =	sor.u32 s4, s30  }
0x6: {  	s11 =	simm.s32 $0xF600;
	s12 =	simm.s32 $0x1;
	s5 =	smul.u32 $0xC60, s1  }
.Ltmp0:
0x7: {  	s13 =	simm.s32 $0x2;
	s14 =	simm.s32 $0x0;
	(pc) =	sbr.rel .LBB2_1-.Ltmp0, $4  }
0x8: {  	[smem:$0x7FF] =	sst s3;
	s4 =	ssub.s32 $0x2, s4;
	s5 =	smin.u32 s5, $0x17A40  }
0x9: {  	s1 =	rddreg [dreg:$0x2];
	s31 =	sshrl.u32 s4, $0x1;
	s5 =	sshll.u32 s5, $0x1  }
0xa: {  	_ =	strace $0x80000047;
	s5 =	sadd.s32 s5, s6;
	s6 =	ssub.s32 s4, s31  }
0xb: {  	s4 =	sadd.s32 $0x187400, s5;
	s5 =	sadd.s32 $0xA00, s5;
	s6 =	smax.u32 s6, $0x1  }
.LBB2_10:
0xc: {  	s14 =	sadd.s32 $0x1, s14  }
0xd: {  	p0 =	sne.s32 s14, s6  }
.Ltmp1:
0xe: {  	_ = 	snop;
	(pc) =	sbr.rel @!p0 .LBB2_11-.Ltmp1, $4  }
0xf: {  	[hbm4b:s5+s3] =	stream.linear.scatter [tilespmem:s7], [sflag:$0x3], $0xC600, $0x38;
	[tilespmem:$0x1EC00] =	vst v63  }
0x10: {  	_ =	swait.ge [sflag:s8], $0xC600  }
0x11: {  	[sflag:s8] =	ssyncset.done $0x0  }
0x12: {  	[sflag:s8] =	ssyncadd.s32 $0xFFFF3A00  }
.LBB2_1:
0x13: {  	[tilespmem:s7], [sflag:$0x3] =	stream.linear.gather [hbm4b:s4+s3], $0xC600, $0x38;
	[tilespmem:$0x1EC00] =	vst v63  }
0x14: {  	_ =	swait.ge [sflag:s8], $0xC600  }
0x15: {  	[sflag:s8] =	ssyncset.done $0x0  }
0x16: {  	s15 =	simm.s32 $0x0;
	[sflag:s8] =	ssyncadd.s32 $0xFFFF3A00  }
0x17: {  	v3 =	vld [tilespmem:s15+$0x12670]  }
0x18: {  	v4 =	vld [tilespmem:s15+$0x12600]  }
0x19: {  	v5 =	vld [tilespmem:s15+$0x12610]  }
0x1a: {  	v2 =	vld [tilespmem:s15+$0x12620]  }
0x1b: {  	v0 =	vld [tilespmem:s15+$0x12630]  }
0x1c: {  	v1 =	vld [tilespmem:s15+$0x12640];
	[tilespmem:s15+$0x70] =	vst v3  }
0x1d: {  	[tilespmem:s15+$0x0] =	vst v4;
	v3 =	vld [tilespmem:s15+$0x12650]  }
0x1e: {  	s16 =	simm.s32 $0x80;
	s17 =	simm.s32 $0x400;
	[tilespmem:s15+$0x10] =	vst v5;
	v4 =	vld [tilespmem:s15+$0x12660]  }
.LBB2_2:
0x1f: {  	p0 =	sne.s32 s17, $0x31600;
	v5 =	vld [tilespmem:s16+$0x12670];
	[tilespmem:s15+$0x20] =	vst v2  }
0x20: {  	v6 =	vld [tilespmem:s16+$0x12600];
	[tilespmem:s15+$0x30] =	vst v0  }
0x21: {  	v7 =	vld [tilespmem:s16+$0x12610];
	[tilespmem:s15+$0x40] =	vst v1  }
.Ltmp2:
0x22: {  	v2 =	vld [tilespmem:s16+$0x12620];
	[tilespmem:s15+$0x50] =	vst v3;
	(pc) =	sbr.rel @p0 .LBB2_2-.Ltmp2, $4  }
0x23: {  	v0 =	vld [tilespmem:s16+$0x12630];
	[tilespmem:s15+$0x60] =	vst v4;
	s15 =	smov.u32 s16  }
0x24: {  	v1 =	vld [tilespmem:s15+$0x12640];
	[tilespmem:s15+$0x70] =	vst v5  }
0x25: {  	[tilespmem:s15+$0x0] =	vst v6;
	v3 =	vld [tilespmem:s15+$0x12650]  }
0x26: {  	s16 =	sshra.s32 s17, $0x2;
	s17 =	sadd.s32 $0x200, s17;
	[tilespmem:s15+$0x10] =	vst v7;
	v4 =	vld [tilespmem:s15+$0x12660]  }
0x27: {  	v5 =	vld [tilespmem:s16+$0x12670];
	[tilespmem:s15+$0x20] =	vst v2  }
0x28: {  	v2 =	vld [tilespmem:s16+$0x12600];
	[tilespmem:s15+$0x30] =	vst v0  }
0x29: {  	v0 =	vld [tilespmem:s16+$0x12610];
	[tilespmem:s15+$0x40] =	vst v1  }
0x2a: {  	v1 =	vld [tilespmem:s16+$0x12620];
	[tilespmem:s15+$0x50] =	vst v3  }
0x2b: {  	v3 =	vld [tilespmem:s16+$0x12630];
	[tilespmem:s15+$0x60] =	vst v4  }
0x2c: {  	v4 =	vld [tilespmem:s16+$0x12640];
	[tilespmem:s16+$0x70] =	vst v5  }
0x2d: {  	v62 =	vld [tilespmem:s16+$0x12650];
	[tilespmem:s16+$0x0] =	vst v2  }
0x2e: {  	v63 =	vld [tilespmem:s16+$0x12660];
	[tilespmem:s16+$0x10] =	vst v0  }
0x2f: {  	[tilespmem:s16+$0x20] =	vst v1  }
0x30: {  	[tilespmem:s16+$0x30] =	vst v3  }
0x31: {  	[tilespmem:s16+$0x40] =	vst v4  }
0x32: {  	[tilespmem:s16+$0x50] =	vst v62  }
0x33: {  	s15 =	simm.s32 $0x0;
	[tilespmem:s16+$0x60] =	vst v63  }
0x34: {  	[tilespmem:s10], [sflag:$0x1] =	stream.indirect.gather [hbm4b:s2+s9], $0x10, s15, s9, $0xb8;
	[tilespmem:$0x1EC00] =	vst v63  }
0x35: {  	s17 =	simm.s32 $0x12900;
	s16 =	simm.s32 $0x12600  }
0x36: {  	[tilespmem:s11], [sflag:$0x2] =	stream.indirect.gather [hbm4b:s2+s9], $0x10, s9, s9, $0xb8;
	[tilespmem:$0x1EC00] =	vst v63  }
.LBB2_4:
0x37: {  	_ =	swait.ge [sflag:s12], $0x3000  }
0x38: {  	[sflag:s12] =	ssyncset.done $0x0  }
0x39: {  	s18 =	simm.s32 $0xC680;
	[sflag:s12] =	ssyncadd.s32 $0xFFFFD000  }
0x3a: {  	v1 =	vld [tilespmem:s18+$0xFFFFFF90]  }
0x3b: {  	v2 =	vld [tilespmem:s18+$0xFFFFFF80]  }
0x3c: {  	v3 =	vld [tilespmem:s18+$0xFFFFFFA0]  }
0x3d: {  	v4 =	vld [tilespmem:s18+$0xFFFFFFB0]  }
0x3e: {  	v5 =	vld [tilespmem:s18+$0xFFFFFFC0]  }
0x3f: {  	v6 =	vld [tilespmem:s18+$0xFFFFFFD0]  }
0x40: {  	v7 =	vld [tilespmem:s18+$0xFFFFFFE0]  }
0x41: {  	v8 =	vld [tilespmem:s18+$0xFFFFFFF0]  }
0x42: {  	v9 =	vld [tilespmem:s18+$0x0]  }
0x43: {  	v10 =	vld [tilespmem:s18+$0x10]  }
0x44: {  	v11 =	vld [tilespmem:s18+$0x20]  }
0x45: {  	v12 =	vld [tilespmem:s18+$0x30]  }
0x46: {  	v13 =	vld [tilespmem:s18+$0x40]  }
0x47: {  	v14 =	vld [tilespmem:s18+$0x50]  }
0x48: {  	v15 =	vld [tilespmem:s18+$0x60]  }
0x49: {  	v0 =	vmov s16;
	s20 =	simm.s32 $0x40;
	s19 =	simm.s32 $0x0;
	v16 =	vld [tilespmem:s18+$0x70]  }
.LBB2_5:
0x4a: {  	p0 =	sne.s32 s20, $0xBC0  }
0x4b: {  	v1 =	vadd.f32 v1, v2;
	v2 =	vadd.f32 v4, v3  }
0x4c: {  	v3 =	vadd.f32 v6, v5;
	v4 =	vadd.f32 v8, v7  }
0x4d: {  	v5 =	vadd.f32 v10, v9;
	v6 =	vadd.f32 v12, v11  }
0x4e: {  	v7 =	vadd.f32 v14, v13;
	v8 =	vadd.f32 v16, v15  }
0x4f: {  	v1 =	vadd.f32 v2, v1;
	v2 =	vadd.f32 v4, v3  }
0x50: {  	v3 =	vadd.f32 v6, v5;
	v4 =	vadd.f32 v8, v7;
	_ =	sdelay $0x1  }
0x51: {  	v1 =	vadd.f32 v2, v1;
	v2 =	vadd.f32 v4, v3;
	_ =	sdelay $0x1  }
0x52: {  	v1 =	vadd.f32 v2, v1  }
0x53: {  	s21 =	sshra.s32 s19, $0x2;
	s19 =	smov.u32 s20  }
0x54: {  	s18 =	sadd.s32 $0x100, s18;
	[tilespmem:v0+s21+$0x0 ss:$0x1] =	vst.idx.msk $0xffff, v1  }
0x55: {  	v1 =	vld [tilespmem:s18+$0xFFFFFF90]  }
0x56: {  	v2 =	vld [tilespmem:s18+$0xFFFFFF80]  }
0x57: {  	v3 =	vld [tilespmem:s18+$0xFFFFFFA0]  }
0x58: {  	v4 =	vld [tilespmem:s18+$0xFFFFFFB0]  }
0x59: {  	v5 =	vld [tilespmem:s18+$0xFFFFFFC0]  }
0x5a: {  	v6 =	vld [tilespmem:s18+$0xFFFFFFD0]  }
0x5b: {  	v7 =	vld [tilespmem:s18+$0xFFFFFFE0]  }
0x5c: {  	v8 =	vld [tilespmem:s18+$0xFFFFFFF0]  }
0x5d: {  	v9 =	vld [tilespmem:s18+$0x0]  }
0x5e: {  	v10 =	vld [tilespmem:s18+$0x10]  }
0x5f: {  	v11 =	vld [tilespmem:s18+$0x20]  }
.Ltmp3:
0x60: {  	v12 =	vld [tilespmem:s18+$0x30];
	(pc) =	sbr.rel @p0 .LBB2_5-.Ltmp3, $4  }
0x61: {  	v13 =	vld [tilespmem:s18+$0x40]  }
0x62: {  	v14 =	vld [tilespmem:s18+$0x50]  }
0x63: {  	v15 =	vld [tilespmem:s18+$0x60]  }
0x64: {  	s20 =	sadd.s32 $0x40, s20;
	v16 =	vld [tilespmem:s18+$0x70]  }
0x65: {  	_ = 	snop  }
0x66: {  	v1 =	vadd.f32 v1, v2;
	v2 =	vadd.f32 v4, v3  }
0x67: {  	v3 =	vadd.f32 v6, v5;
	v4 =	vadd.f32 v8, v7  }
0x68: {  	v5 =	vadd.f32 v10, v9;
	v6 =	vadd.f32 v12, v11  }
0x69: {  	v7 =	vadd.f32 v14, v13;
	v8 =	vadd.f32 v16, v15  }
0x6a: {  	v1 =	vadd.f32 v2, v1;
	v2 =	vadd.f32 v4, v3  }
0x6b: {  	v3 =	vadd.f32 v6, v5;
	v4 =	vadd.f32 v8, v7;
	_ =	sdelay $0x1  }
0x6c: {  	p0 =	seq.s32 s15, $0x20;
	v1 =	vadd.f32 v2, v1;
	v2 =	vadd.f32 v4, v3  }
0x6d: {  	s18 =	smul.u32 @!p0 $0x1800, s15  }
0x6e: {  	v1 =	vadd.f32 v2, v1  }
0x6f: {  	s19 =	sshra.s32 s19, $0x2;
	s18 =	sshra.s32 @!p0 s18, $0x2  }
0x70: {  	s20 =	simm.s32 @!p0 $0xC600;
	s18 =	sadd.s32 @!p0 $0x600, s18;
	[tilespmem:v0+s19+$0x0 ss:$0x1] =	vst.idx.msk $0xffff, v1;
	s19 =	simm.s32 @!p0 $0x300  }
0x71: {  	[tilespmem:s20], [sflag:$0x1] =	stream.indirect.gather @!p0 [hbm4b:s2+s19], $0x10, s18, s19, $0xb8;
	[tilespmem:$0x1EC00] =	vst v63  }
0x72: {  	_ =	swait.ge [sflag:s13], $0x3000  }
0x73: {  	[sflag:s13] =	ssyncset.done $0x0  }
0x74: {  	s18 =	simm.s32 $0xF6F0;
	[sflag:s13] =	ssyncadd.s32 $0xFFFFD000  }
0x75: {  	v1 =	vld [tilespmem:s18+$0xFFFFFF20]  }
0x76: {  	v2 =	vld [tilespmem:s18+$0xFFFFFF10]  }
0x77: {  	v3 =	vld [tilespmem:s18+$0xFFFFFF30]  }
0x78: {  	v4 =	vld [tilespmem:s18+$0xFFFFFF40]  }
0x79: {  	v5 =	vld [tilespmem:s18+$0xFFFFFF50]  }
0x7a: {  	v6 =	vld [tilespmem:s18+$0xFFFFFF60]  }
0x7b: {  	v7 =	vld [tilespmem:s18+$0xFFFFFF70]  }
0x7c: {  	v8 =	vld [tilespmem:s18+$0xFFFFFF80]  }
0x7d: {  	v9 =	vld [tilespmem:s18+$0xFFFFFF90]  }
0x7e: {  	v10 =	vld [tilespmem:s18+$0xFFFFFFA0]  }
0x7f: {  	v11 =	vld [tilespmem:s18+$0xFFFFFFB0]  }
0x80: {  	v12 =	vld [tilespmem:s18+$0xFFFFFFC0]  }
0x81: {  	v13 =	vld [tilespmem:s18+$0xFFFFFFD0]  }
0x82: {  	v14 =	vld [tilespmem:s18+$0xFFFFFFE0]  }
0x83: {  	v15 =	vld [tilespmem:s18+$0xFFFFFFF0]  }
0x84: {  	v0 =	vmov s17;
	s19 =	simm.s32 $0x0;
	s20 =	simm.s32 $0x40;
	v16 =	vld [tilespmem:s18+$0x0]  }
.LBB2_7:
0x85: {  	p1 =	sne.s32 s20, $0xBC0  }
0x86: {  	v1 =	vadd.f32 v1, v2;
	v2 =	vadd.f32 v4, v3  }
0x87: {  	v3 =	vadd.f32 v6, v5;
	v4 =	vadd.f32 v8, v7  }
0x88: {  	v5 =	vadd.f32 v10, v9;
	v6 =	vadd.f32 v12, v11  }
0x89: {  	v7 =	vadd.f32 v14, v13;
	v8 =	vadd.f32 v16, v15  }
0x8a: {  	v1 =	vadd.f32 v2, v1;
	v2 =	vadd.f32 v4, v3  }
0x8b: {  	v3 =	vadd.f32 v6, v5;
	v4 =	vadd.f32 v8, v7;
	_ =	sdelay $0x1  }
0x8c: {  	v1 =	vadd.f32 v2, v1;
	v2 =	vadd.f32 v4, v3;
	_ =	sdelay $0x1  }
0x8d: {  	v1 =	vadd.f32 v2, v1  }
0x8e: {  	s21 =	sshra.s32 s19, $0x2;
	s19 =	smov.u32 s20  }
0x8f: {  	s18 =	sadd.s32 $0x100, s18;
	[tilespmem:v0+s21+$0x0 ss:$0x1] =	vst.idx.msk $0xffff, v1  }
0x90: {  	v1 =	vld [tilespmem:s18+$0xFFFFFF20]  }
0x91: {  	v2 =	vld [tilespmem:s18+$0xFFFFFF10]  }
0x92: {  	v3 =	vld [tilespmem:s18+$0xFFFFFF30]  }
0x93: {  	v4 =	vld [tilespmem:s18+$0xFFFFFF40]  }
0x94: {  	v5 =	vld [tilespmem:s18+$0xFFFFFF50]  }
0x95: {  	v6 =	vld [tilespmem:s18+$0xFFFFFF60]  }
0x96: {  	v7 =	vld [tilespmem:s18+$0xFFFFFF70]  }
0x97: {  	v8 =	vld [tilespmem:s18+$0xFFFFFF80]  }
0x98: {  	v9 =	vld [tilespmem:s18+$0xFFFFFF90]  }
0x99: {  	v10 =	vld [tilespmem:s18+$0xFFFFFFA0]  }
0x9a: {  	v11 =	vld [tilespmem:s18+$0xFFFFFFB0]  }
.Ltmp4:
0x9b: {  	v12 =	vld [tilespmem:s18+$0xFFFFFFC0];
	(pc) =	sbr.rel @p1 .LBB2_7-.Ltmp4, $4  }
0x9c: {  	v13 =	vld [tilespmem:s18+$0xFFFFFFD0]  }
0x9d: {  	v14 =	vld [tilespmem:s18+$0xFFFFFFE0]  }
0x9e: {  	v15 =	vld [tilespmem:s18+$0xFFFFFFF0]  }
0x9f: {  	s20 =	sadd.s32 $0x40, s20;
	v16 =	vld [tilespmem:s18+$0x0]  }
0xa0: {  	_ = 	snop  }
0xa1: {  	v1 =	vadd.f32 v1, v2;
	v53 =	vadd.f32 v4, v3  }
0xa2: {  	v54 =	vadd.f32 v6, v5;
	v55 =	vadd.f32 v8, v7  }
0xa3: {  	v56 =	vadd.f32 v10, v9;
	v57 =	vadd.f32 v12, v11  }
0xa4: {  	v58 =	vadd.f32 v14, v13;
	v59 =	vadd.f32 v16, v15  }
0xa5: {  	v1 =	vadd.f32 v53, v1;
	v60 =	vadd.f32 v55, v54  }
0xa6: {  	v61 =	vadd.f32 v57, v56;
	v62 =	vadd.f32 v59, v58;
	_ =	sdelay $0x1  }
.Ltmp5:
0xa7: {  	v1 =	vadd.f32 v60, v1;
	v63 =	vadd.f32 v62, v61;
	(pc) =	sbr.rel @p0 .LBB2_10-.Ltmp5, $4  }
0xa8: {  	_ = 	snop  }
0xa9: {  	v1 =	vadd.f32 v63, v1  }
0xaa: {  	s18 =	sshra.s32 s19, $0x2  }
0xab: {  	[tilespmem:v0+s18+$0x0 ss:$0x1] =	vst.idx.msk $0xffff, v1  }
0xac: {  	s18 =	smul.u32 $0x1800, s15  }
.Ltmp6:
0xad: {  	_ = 	snop;
	(pc) =	sbr.rel .LBB2_4-.Ltmp6, $4  }
0xae: {  	_ = 	snop  }
0xaf: {  	s15 =	sadd.s32 $0x1, s15;
	s18 =	sshra.s32 s18, $0x2  }
0xb0: {  	s16 =	sadd.s32 $0x600, s16;
	s17 =	sadd.s32 $0x600, s17;
	s18 =	sadd.s32 $0x900, s18  }
0xb1: {  	[tilespmem:s11], [sflag:$0x2] =	stream.indirect.gather [hbm4b:s2+s9], $0x10, s18, s9, $0xb8;
	[tilespmem:$0x1EC00] =	vst v63  }
.LBB2_11:
0xb2: {  	_ =	sfence.sel $0x180000  }
0xb3: {  	[bflag:$0x0] =	sbarrier.arrive $0xFFFF  }
0xb4: {  	p0 =	sne.s32 s0, $0x0;
	_ =	strace $0x90000047  }
0xb5: {  	s0 =	sadd.s32 @!p0 $0x100000, s1;
	[bflag:$0x2] =	sbarrier.arrive $0xFFFF  }
0xb6: {  	[sflag:s0] =	ssyncadd.tile.s32 @!p0 $0x1;
	_ =	shalt  }
.Lfunc_end2:
_tile_overlayer_lowered:
.L_overlay_start_2:
0xb7: {  	(tag) =	ssettag $0x2  }
0xb8: {  	s0 =	rddreg [dreg:$0x0];
	s2 =	stileid.u32  }
0xb9: {  	s1 =	rddreg [dreg:$0x1];
	p0 =	sne.s32 s2, $0x0  }
0xba: {  	s3 =	rddreg [dreg:$0x2];
	[bflag:$0x3] =	sbarrier.arrive $0xFFFF;
	s2 =	simm.s32 @!p0 $0x1C03  }
0xbb: {  	[timem:s3], [sflag:s2] =	dma.local @!p0 [hbm:s0], s1  }
0xbc: {  	s0 =	simm.s32 @!p0 $0x3  }
0xbd: {  	_ =	swait.ge @!p0 [sflag:s0], s1  }
0xbe: {  	s1 =	ssub.s32 @!p0 $0x0, s1;
	[sflag:s0] =	ssyncset.done @!p0 $0x0  }
0xbf: {  	[sflag:s0] =	ssyncadd.s32 @!p0 s1  }
0xc0: {  	[bflag:$0x3] =	sbarrier.arrive $0xFFFF  }
0xc1: {  	_ =	shalt  }

</sc_bundles>
